<compile_context>
chip_gen: v7x
topology: tpu7x:2x2x1
jax: 0.10.2.dev20260603
libtpu: 0.0.44.dev20260713+nightly
codegen_flags: <defaults>
</compile_context>

<pallas_src>
import functools

import jax
import jax.numpy as jnp
from jax import lax
from jax.experimental import pallas as pl
from jax.experimental.pallas import tpu as pltpu
from jax.experimental.pallas import tpu_sc as plsc

_D = 256
_B = 100000
_NC = 2
_NS = 16
_NW = _NC * _NS
_C = 128
_NBUF = 3
_K = 2
_STEPS = 25
_TAIL = 56
_BPW = (_STEPS - 1) * _C + _TAIL
_IPW = _STEPS * _C
_BPAD = _BPW * _NW
_LOOPED = (_STEPS - _K) // _NBUF * _NBUF

_mesh = plsc.VectorSubcoreMesh(core_axis_name="c", subcore_axis_name="s")


@functools.partial(
    pl.kernel,
    out_type=jax.ShapeDtypeStruct((_BPAD, _D), jnp.float32),
    mesh=_mesh,
    scratch_types=[
        pltpu.VMEM((_IPW,), jnp.int32),
        pltpu.VMEM((_NBUF, _C, _D), jnp.float32),
    ]
    + [pltpu.SemaphoreType.DMA] * (2 * _NBUF),
)
def _gather_rows(x_hbm, idx_hbm, out_hbm, idx_v, rows_v, *sems):
    gsems = sems[:_NBUF]
    wsems = sems[_NBUF:]
    wid = lax.axis_index("s") * _NC + lax.axis_index("c")
    base = wid * _BPW

    pltpu.sync_copy(idx_hbm.at[pl.ds(wid * _IPW, _IPW)], idx_v)

    def start_gather(slot, chunk):
        pltpu.async_copy(
            x_hbm.at[idx_v.at[pl.ds(chunk * _C, _C)]], rows_v.at[slot], gsems[slot]
        )

    def wait_gather(slot):
        pltpu.make_async_copy(
            x_hbm.at[idx_v.at[pl.ds(0, _C)]], rows_v.at[slot], gsems[slot]
        ).wait()

    def start_write(slot, chunk, rows=_C):
        pltpu.async_copy(
            rows_v.at[slot, pl.ds(0, rows)],
            out_hbm.at[pl.ds(base + chunk * _C, rows)],
            wsems[slot],
        )

    def wait_write(slot, rows=_C):
        pltpu.make_async_copy(
            rows_v.at[slot, pl.ds(0, rows)],
            out_hbm.at[pl.ds(base, rows)],
            wsems[slot],
        ).wait()

    for c in range(_K):
        start_gather(c, c)

    @pl.loop(0, _LOOPED, step=_NBUF)
    def _(j):
        for b in range(_NBUF):
            cj = j + b
            slot = b
            nslot = (b + _K) % _NBUF
            wait_gather(slot)
            start_write(slot, cj)

            @pl.when(cj >= _NBUF - _K)
            def _():
                wait_write(nslot)

            start_gather(nslot, cj + _K)

    for t in range(_LOOPED, _STEPS):
        slot = t % _NBUF
        wait_gather(slot)
        if t == _STEPS - 1:
            start_write(slot, t, _TAIL)
        else:
            start_write(slot, t)
        nslot = (t + _K) % _NBUF
        wait_write(nslot)
        if t + _K < _STEPS:
            start_gather(nslot, t + _K)

    for t in range(_STEPS - (_NBUF - _K), _STEPS):
        wait_write(t % _NBUF, _TAIL if t == _STEPS - 1 else _C)


def kernel(x, inds):
    idx = inds[:, 0].astype(jnp.int32)
    idx = jnp.concatenate([idx, jnp.zeros((_BPAD - _B,), jnp.int32)])
    idx = idx.reshape(_NW, _BPW)
    idx = jnp.pad(idx, ((0, 0), (0, _IPW - _BPW))).reshape(-1)
    out = _gather_rows(x, idx)
    return out[:_B]

# --- scband reference (transcript-rebuilt; emitter-appended) ---
"""Pipeline reference for scband-nearest-upsample-block-68238440399536 (READ-ONLY COPY).

The authoritative reference and input builder live on the scoring server;
editing this copy changes nothing except your own understanding.
"""

import jax, jax.numpy as jnp
import numpy as np


def setup_inputs(seed: int = 0) -> dict:
    key = jax.random.key(seed)
    k1, k2 = jax.random.split(key)
    x = jax.random.normal(k1, (50000, 256), dtype=jnp.float32)
    inds = jax.random.randint(k2, (100000, 16), 0, 50000, dtype=jnp.int64)
    return {"x": x, "inds": inds}


def reference(x, inds):
    # closest_pool: pad x with a zero row (shadow index), then gather by the
    # first column of inds (index of closest coarse point for each fine point).
    x_padded = jnp.concatenate([x, jnp.zeros((1, x.shape[1]), x.dtype)], axis=0)
    pool_features = jnp.take(x_padded, inds[:, 0], axis=0)
    return pool_features

if __name__ == "__main__":
    import jax
    _d = setup_inputs()
    print(jax.jit(kernel)(*tuple(_d.values())))

</pallas_src>

<mosaic_0001>
#map = affine_map<(d0, d1) -> (0, 0)>
#map1 = affine_map<(d0, d1) -> (0)>
module attributes {stable_mosaic.version = 14 : i64} {
  func.func @_gather_rows(%arg0: i32, %arg1: i32, %arg2: memref<50000x256xf32, #tpu.memory_space<hbm>>, %arg3: memref<102400xi32, #tpu.memory_space<hbm>>, %arg4: memref<100096x256xf32, #tpu.memory_space<hbm>>, %arg5: memref<3200xi32, #tpu.memory_space<vmem>>, %arg6: memref<3x128x256xf32, #tpu.memory_space<vmem>>, %arg7: memref<!tpu.dma_semaphore, #tpu.memory_space<semaphore_mem>>, %arg8: memref<!tpu.dma_semaphore, #tpu.memory_space<semaphore_mem>>, %arg9: memref<!tpu.dma_semaphore, #tpu.memory_space<semaphore_mem>>, %arg10: memref<!tpu.dma_semaphore, #tpu.memory_space<semaphore_mem>>, %arg11: memref<!tpu.dma_semaphore, #tpu.memory_space<semaphore_mem>>, %arg12: memref<!tpu.dma_semaphore, #tpu.memory_space<semaphore_mem>>) attributes {dimension_semantics = [#tpu.dimension_semantics<core_parallel>, #tpu.dimension_semantics<subcore_parallel>], iteration_bounds = array<i64: 2, 16>, scalar_prefetch = 0 : i64, scratch_operands = 8 : i64, tpu.core_type = #tpu.core_type<sc_vector_subcore>, window_params = [{transform_indices = #map}, {transform_indices = #map1}, {transform_indices = #map}]} {
    %mul3A = arith.constant 2 : i32
    %mul3A_0 = arith.muli %arg1, %mul3A : i32
    %add3A = arith.addi %mul3A_0, %arg0 : i32
    %mul3A_1 = arith.constant 3128 : i32
    %mul3A_2 = arith.muli %add3A, %mul3A_1 : i32
    %mul3A_3 = arith.constant 3200 : i32
    %mul3A_4 = arith.muli %add3A, %mul3A_3 : i32
    "tpu.region"() ({
      %run_scoped3A = tpu.sem_alloc : memref<!tpu.dma_semaphore, #tpu.memory_space<semaphore_mem>>
      %dma_start3A_212 = tpu.memref_slice %arg3[%mul3A_4] : memref<102400xi32, #tpu.memory_space<hbm>> -> memref<3200xi32, #tpu.memory_space<hbm>>
      %dma_start3A_213 = tpu.memref_slice %arg3[%mul3A_4] : memref<102400xi32, #tpu.memory_space<hbm>> -> memref<3200xi32, #tpu.memory_space<hbm>>
      tpu.enqueue_dma source(%dma_start3A_213 : memref<3200xi32, #tpu.memory_space<hbm>>) target(%arg5 : memref<3200xi32, #tpu.memory_space<vmem>>) target_semaphore(%run_scoped3A : memref<!tpu.dma_semaphore, #tpu.memory_space<semaphore_mem>>)
      %dma_wait3A_214 = tpu.memref_slice %arg3[%mul3A_4] : memref<102400xi32, #tpu.memory_space<hbm>> -> memref<3200xi32, #tpu.memory_space<hbm>>
      %dma_wait3A_215 = tpu.memref_slice %arg3[%mul3A_4] : memref<102400xi32, #tpu.memory_space<hbm>> -> memref<3200xi32, #tpu.memory_space<hbm>>
      tpu.wait_dma2 semaphore(%run_scoped3A : memref<!tpu.dma_semaphore, #tpu.memory_space<semaphore_mem>>) src(%dma_wait3A_215 : memref<3200xi32, #tpu.memory_space<hbm>>) dst(%arg5 : memref<3200xi32, #tpu.memory_space<vmem>>)
      tpu.yield
    }) : () -> ()
    %dma_start3A = arith.constant 0 : i32
    %dma_start3A_5 = arith.constant 0 : i32
    %dma_start3A_6 = arith.constant 0 : i32
    %dma_start3A_7 = tpu.memref_slice %arg6[%dma_start3A, %dma_start3A_5, %dma_start3A_6] : memref<3x128x256xf32, #tpu.memory_space<vmem>> -> memref<1x128x256xf32, #tpu.memory_space<vmem>>
    %dma_start3A_8 = tpu.memref_squeeze %dma_start3A_7 : memref<1x128x256xf32, #tpu.memory_space<vmem>> -> memref<128x256xf32, #tpu.memory_space<vmem>>
    %dma_start3A_9 = arith.constant 0 : i32
    %dma_start3A_10 = tpu.memref_slice %arg5[%dma_start3A_9] : memref<3200xi32, #tpu.memory_space<vmem>> -> memref<128xi32, #tpu.memory_space<vmem>>
    %dma_start3A_11 = arith.constant 0 : i32
    %dma_start3A_12 = arith.constant 0 : i32
    %dma_start3A_13 = tpu.memref_slice %arg2[%dma_start3A_11, %dma_start3A_12] : memref<50000x256xf32, #tpu.memory_space<hbm>> -> memref<50000x256xf32, #tpu.memory_space<hbm>>
    tpu.enqueue_indirect_dma source(%dma_start3A_13 : memref<50000x256xf32, #tpu.memory_space<hbm>>) target(%dma_start3A_8 : memref<128x256xf32, #tpu.memory_space<vmem>>) offsets(%dma_start3A_10 : memref<128xi32, #tpu.memory_space<vmem>>) semaphore(%arg7 : memref<!tpu.dma_semaphore, #tpu.memory_space<semaphore_mem>>)
    %dma_start3A_14 = arith.constant 1 : i32
    %dma_start3A_15 = arith.constant 0 : i32
    %dma_start3A_16 = arith.constant 0 : i32
    %dma_start3A_17 = tpu.memref_slice %arg6[%dma_start3A_14, %dma_start3A_15, %dma_start3A_16] : memref<3x128x256xf32, #tpu.memory_space<vmem>> -> memref<1x128x256xf32, #tpu.memory_space<vmem>>
    %dma_start3A_18 = tpu.memref_squeeze %dma_start3A_17 : memref<1x128x256xf32, #tpu.memory_space<vmem>> -> memref<128x256xf32, #tpu.memory_space<vmem>>
    %dma_start3A_19 = arith.constant 128 : i32
    %dma_start3A_20 = tpu.memref_slice %arg5[%dma_start3A_19] : memref<3200xi32, #tpu.memory_space<vmem>> -> memref<128xi32, #tpu.memory_space<vmem>>
    %dma_start3A_21 = arith.constant 0 : i32
    %dma_start3A_22 = arith.constant 0 : i32
    %dma_start3A_23 = tpu.memref_slice %arg2[%dma_start3A_21, %dma_start3A_22] : memref<50000x256xf32, #tpu.memory_space<hbm>> -> memref<50000x256xf32, #tpu.memory_space<hbm>>
    tpu.enqueue_indirect_dma source(%dma_start3A_23 : memref<50000x256xf32, #tpu.memory_space<hbm>>) target(%dma_start3A_18 : memref<128x256xf32, #tpu.memory_space<vmem>>) offsets(%dma_start3A_20 : memref<128xi32, #tpu.memory_space<vmem>>) semaphore(%arg8 : memref<!tpu.dma_semaphore, #tpu.memory_space<semaphore_mem>>)
    %scan3A = arith.constant 0 : i32
    %scan3A_24 = arith.constant 7 : i32
    %scan3A_25 = arith.addi %scan3A, %scan3A_24 : i32
    %scan3A_26 = arith.constant 1 : i32
    scf.for %scan3A_212 = %scan3A to %scan3A_25 step %scan3A_26  : i32 {
      %mul3A_213 = arith.constant 3 : i32
      %mul3A_214 = arith.muli %scan3A_212, %mul3A_213 : i32
      %add3A_215 = arith.constant 0 : i32
      %add3A_216 = arith.addi %add3A_215, %mul3A_214 : i32
      %add3A_217 = arith.constant 0 : i32
      %add3A_218 = arith.addi %add3A_216, %add3A_217 : i32
      %dma_wait3A_219 = arith.constant 0 : i32
      %dma_wait3A_220 = arith.constant 0 : i32
      %dma_wait3A_221 = arith.constant 0 : i32
      %dma_wait3A_222 = tpu.memref_slice %arg6[%dma_wait3A_219, %dma_wait3A_220, %dma_wait3A_221] : memref<3x128x256xf32, #tpu.memory_space<vmem>> -> memref<1x128x256xf32, #tpu.memory_space<vmem>>
      %dma_wait3A_223 = tpu.memref_squeeze %dma_wait3A_222 : memref<1x128x256xf32, #tpu.memory_space<vmem>> -> memref<128x256xf32, #tpu.memory_space<vmem>>
      %dma_wait3A_224 = arith.constant 0 : i32
      %dma_wait3A_225 = tpu.memref_slice %arg5[%dma_wait3A_224] : memref<3200xi32, #tpu.memory_space<vmem>> -> memref<128xi32, #tpu.memory_space<vmem>>
      %dma_wait3A_226 = arith.constant 0 : i32
      %dma_wait3A_227 = arith.constant 0 : i32
      %dma_wait3A_228 = tpu.memref_slice %arg2[%dma_wait3A_226, %dma_wait3A_227] : memref<50000x256xf32, #tpu.memory_space<hbm>> -> memref<50000x256xf32, #tpu.memory_space<hbm>>
      tpu.wait_indirect_dma semaphore(%arg7 : memref<!tpu.dma_semaphore, #tpu.memory_space<semaphore_mem>>) src(%dma_wait3A_228 : memref<50000x256xf32, #tpu.memory_space<hbm>>) dst(%dma_wait3A_223 : memref<128x256xf32, #tpu.memory_space<vmem>>)
      %mul3A_229 = arith.constant 128 : i32
      %mul3A_230 = arith.muli %add3A_218, %mul3A_229 : i32
      %add3A_231 = arith.addi %mul3A_2, %mul3A_230 : i32
      %dma_start3A_232 = arith.constant 0 : i32
      %dma_start3A_233 = arith.constant 0 : i32
      %dma_start3A_234 = arith.constant 0 : i32
      %dma_start3A_235 = tpu.memref_slice %arg6[%dma_start3A_232, %dma_start3A_233, %dma_start3A_234] : memref<3x128x256xf32, #tpu.memory_space<vmem>> -> memref<1x128x256xf32, #tpu.memory_space<vmem>>
      %dma_start3A_236 = tpu.memref_squeeze %dma_start3A_235 : memref<1x128x256xf32, #tpu.memory_space<vmem>> -> memref<128x256xf32, #tpu.memory_space<vmem>>
      %dma_start3A_237 = arith.constant 0 : i32
      %dma_start3A_238 = tpu.memref_slice %arg4[%add3A_231, %dma_start3A_237] : memref<100096x256xf32, #tpu.memory_space<hbm>> -> memref<128x256xf32, #tpu.memory_space<hbm>>
      %dma_start3A_239 = arith.constant 0 : i32
      %dma_start3A_240 = tpu.memref_slice %arg4[%add3A_231, %dma_start3A_239] : memref<100096x256xf32, #tpu.memory_space<hbm>> -> memref<128x256xf32, #tpu.memory_space<hbm>>
      %dma_start3A_241 = arith.constant 0 : i32
      %dma_start3A_242 = arith.constant 0 : i32
      %dma_start3A_243 = tpu.memref_slice %arg6[%dma_start3A_232, %dma_start3A_241, %dma_start3A_242] : memref<3x128x256xf32, #tpu.memory_space<vmem>> -> memref<1x128x256xf32, #tpu.memory_space<vmem>>
      %dma_start3A_244 = tpu.memref_squeeze %dma_start3A_243 : memref<1x128x256xf32, #tpu.memory_space<vmem>> -> memref<128x256xf32, #tpu.memory_space<vmem>>
      tpu.enqueue_dma source(%dma_start3A_244 : memref<128x256xf32, #tpu.memory_space<vmem>>) target(%dma_start3A_240 : memref<128x256xf32, #tpu.memory_space<hbm>>) target_semaphore(%arg10 : memref<!tpu.dma_semaphore, #tpu.memory_space<semaphore_mem>>)
      %ge3A = arith.constant 1 : i32
      %ge3A_245 = arith.cmpi sge, %add3A_218, %ge3A : i32
      %convert_element_type3A = arith.extui %ge3A_245 : i1 to i32
      %cond3A = arith.constant 0 : i32
      %cond3A_246 = arith.cmpi ne, %convert_element_type3A, %cond3A : i32
      scf.if %cond3A_246 {
        %dma_wait3A_352 = arith.constant 2 : i32
        %dma_wait3A_353 = arith.constant 0 : i32
        %dma_wait3A_354 = arith.constant 0 : i32
        %dma_wait3A_355 = tpu.memref_slice %arg6[%dma_wait3A_352, %dma_wait3A_353, %dma_wait3A_354] : memref<3x128x256xf32, #tpu.memory_space<vmem>> -> memref<1x128x256xf32, #tpu.memory_space<vmem>>
        %dma_wait3A_356 = tpu.memref_squeeze %dma_wait3A_355 : memref<1x128x256xf32, #tpu.memory_space<vmem>> -> memref<128x256xf32, #tpu.memory_space<vmem>>
        %dma_wait3A_357 = arith.constant 0 : i32
        %dma_wait3A_358 = tpu.memref_slice %arg4[%mul3A_2, %dma_wait3A_357] : memref<100096x256xf32, #tpu.memory_space<hbm>> -> memref<128x256xf32, #tpu.memory_space<hbm>>
        %dma_wait3A_359 = arith.constant 0 : i32
        %dma_wait3A_360 = tpu.memref_slice %arg4[%mul3A_2, %dma_wait3A_359] : memref<100096x256xf32, #tpu.memory_space<hbm>> -> memref<128x256xf32, #tpu.memory_space<hbm>>
        %dma_wait3A_361 = arith.constant 0 : i32
        %dma_wait3A_362 = arith.constant 0 : i32
        %dma_wait3A_363 = tpu.memref_slice %arg6[%dma_wait3A_352, %dma_wait3A_361, %dma_wait3A_362] : memref<3x128x256xf32, #tpu.memory_space<vmem>> -> memref<1x128x256xf32, #tpu.memory_space<vmem>>
        %dma_wait3A_364 = tpu.memref_squeeze %dma_wait3A_363 : memref<1x128x256xf32, #tpu.memory_space<vmem>> -> memref<128x256xf32, #tpu.memory_space<vmem>>
        tpu.wait_dma2 semaphore(%arg12 : memref<!tpu.dma_semaphore, #tpu.memory_space<semaphore_mem>>) src(%dma_wait3A_364 : memref<128x256xf32, #tpu.memory_space<vmem>>) dst(%dma_wait3A_360 : memref<128x256xf32, #tpu.memory_space<hbm>>)
      } else {
      }
      %add3A_247 = arith.constant 2 : i32
      %add3A_248 = arith.addi %add3A_218, %add3A_247 : i32
      %mul3A_249 = arith.constant 128 : i32
      %mul3A_250 = arith.muli %add3A_248, %mul3A_249 : i32
      %dma_start3A_251 = arith.constant 2 : i32
      %dma_start3A_252 = arith.constant 0 : i32
      %dma_start3A_253 = arith.constant 0 : i32
      %dma_start3A_254 = tpu.memref_slice %arg6[%dma_start3A_251, %dma_start3A_252, %dma_start3A_253] : memref<3x128x256xf32, #tpu.memory_space<vmem>> -> memref<1x128x256xf32, #tpu.memory_space<vmem>>
      %dma_start3A_255 = tpu.memref_squeeze %dma_start3A_254 : memref<1x128x256xf32, #tpu.memory_space<vmem>> -> memref<128x256xf32, #tpu.memory_space<vmem>>
      %dma_start3A_256 = tpu.memref_slice %arg5[%mul3A_250] : memref<3200xi32, #tpu.memory_space<vmem>> -> memref<128xi32, #tpu.memory_space<vmem>>
      %dma_start3A_257 = arith.constant 0 : i32
      %dma_start3A_258 = arith.constant 0 : i32
      %dma_start3A_259 = tpu.memref_slice %arg2[%dma_start3A_257, %dma_start3A_258] : memref<50000x256xf32, #tpu.memory_space<hbm>> -> memref<50000x256xf32, #tpu.memory_space<hbm>>
      tpu.enqueue_indirect_dma source(%dma_start3A_259 : memref<50000x256xf32, #tpu.memory_space<hbm>>) target(%dma_start3A_255 : memref<128x256xf32, #tpu.memory_space<vmem>>) offsets(%dma_start3A_256 : memref<128xi32, #tpu.memory_space<vmem>>) semaphore(%arg9 : memref<!tpu.dma_semaphore, #tpu.memory_space<semaphore_mem>>)
      %add3A_260 = arith.constant 1 : i32
      %add3A_261 = arith.addi %add3A_216, %add3A_260 : i32
      %dma_wait3A_262 = arith.constant 1 : i32
      %dma_wait3A_263 = arith.constant 0 : i32
      %dma_wait3A_264 = arith.constant 0 : i32
      %dma_wait3A_265 = tpu.memref_slice %arg6[%dma_wait3A_262, %dma_wait3A_263, %dma_wait3A_264] : memref<3x128x256xf32, #tpu.memory_space<vmem>> -> memref<1x128x256xf32, #tpu.memory_space<vmem>>
      %dma_wait3A_266 = tpu.memref_squeeze %dma_wait3A_265 : memref<1x128x256xf32, #tpu.memory_space<vmem>> -> memref<128x256xf32, #tpu.memory_space<vmem>>
      %dma_wait3A_267 = arith.constant 0 : i32
      %dma_wait3A_268 = tpu.memref_slice %arg5[%dma_wait3A_267] : memref<3200xi32, #tpu.memory_space<vmem>> -> memref<128xi32, #tpu.memory_space<vmem>>
      %dma_wait3A_269 = arith.constant 0 : i32
      %dma_wait3A_270 = arith.constant 0 : i32
      %dma_wait3A_271 = tpu.memref_slice %arg2[%dma_wait3A_269, %dma_wait3A_270] : memref<50000x256xf32, #tpu.memory_space<hbm>> -> memref<50000x256xf32, #tpu.memory_space<hbm>>
      tpu.wait_indirect_dma semaphore(%arg8 : memref<!tpu.dma_semaphore, #tpu.memory_space<semaphore_mem>>) src(%dma_wait3A_271 : memref<50000x256xf32, #tpu.memory_space<hbm>>) dst(%dma_wait3A_266 : memref<128x256xf32, #tpu.memory_space<vmem>>)
      %mul3A_272 = arith.constant 128 : i32
      %mul3A_273 = arith.muli %add3A_261, %mul3A_272 : i32
      %add3A_274 = arith.addi %mul3A_2, %mul3A_273 : i32
      %dma_start3A_275 = arith.constant 1 : i32
      %dma_start3A_276 = arith.constant 0 : i32
      %dma_start3A_277 = arith.constant 0 : i32
      %dma_start3A_278 = tpu.memref_slice %arg6[%dma_start3A_275, %dma_start3A_276, %dma_start3A_277] : memref<3x128x256xf32, #tpu.memory_space<vmem>> -> memref<1x128x256xf32, #tpu.memory_space<vmem>>
      %dma_start3A_279 = tpu.memref_squeeze %dma_start3A_278 : memref<1x128x256xf32, #tpu.memory_space<vmem>> -> memref<128x256xf32, #tpu.memory_space<vmem>>
      %dma_start3A_280 = arith.constant 0 : i32
      %dma_start3A_281 = tpu.memref_slice %arg4[%add3A_274, %dma_start3A_280] : memref<100096x256xf32, #tpu.memory_space<hbm>> -> memref<128x256xf32, #tpu.memory_space<hbm>>
      %dma_start3A_282 = arith.constant 0 : i32
      %dma_start3A_283 = tpu.memref_slice %arg4[%add3A_274, %dma_start3A_282] : memref<100096x256xf32, #tpu.memory_space<hbm>> -> memref<128x256xf32, #tpu.memory_space<hbm>>
      %dma_start3A_284 = arith.constant 0 : i32
      %dma_start3A_285 = arith.constant 0 : i32
      %dma_start3A_286 = tpu.memref_slice %arg6[%dma_start3A_275, %dma_start3A_284, %dma_start3A_285] : memref<3x128x256xf32, #tpu.memory_space<vmem>> -> memref<1x128x256xf32, #tpu.memory_space<vmem>>
      %dma_start3A_287 = tpu.memref_squeeze %dma_start3A_286 : memref<1x128x256xf32, #tpu.memory_space<vmem>> -> memref<128x256xf32, #tpu.memory_space<vmem>>
      tpu.enqueue_dma source(%dma_start3A_287 : memref<128x256xf32, #tpu.memory_space<vmem>>) target(%dma_start3A_283 : memref<128x256xf32, #tpu.memory_space<hbm>>) target_semaphore(%arg11 : memref<!tpu.dma_semaphore, #tpu.memory_space<semaphore_mem>>)
      %ge3A_288 = arith.constant 1 : i32
      %ge3A_289 = arith.cmpi sge, %add3A_261, %ge3A_288 : i32
      %convert_element_type3A_290 = arith.extui %ge3A_289 : i1 to i32
      %cond3A_291 = arith.constant 0 : i32
      %cond3A_292 = arith.cmpi ne, %convert_element_type3A_290, %cond3A_291 : i32
      scf.if %cond3A_292 {
        %dma_wait3A_352 = arith.constant 0 : i32
        %dma_wait3A_353 = arith.constant 0 : i32
        %dma_wait3A_354 = arith.constant 0 : i32
        %dma_wait3A_355 = tpu.memref_slice %arg6[%dma_wait3A_352, %dma_wait3A_353, %dma_wait3A_354] : memref<3x128x256xf32, #tpu.memory_space<vmem>> -> memref<1x128x256xf32, #tpu.memory_space<vmem>>
        %dma_wait3A_356 = tpu.memref_squeeze %dma_wait3A_355 : memref<1x128x256xf32, #tpu.memory_space<vmem>> -> memref<128x256xf32, #tpu.memory_space<vmem>>
        %dma_wait3A_357 = arith.constant 0 : i32
        %dma_wait3A_358 = tpu.memref_slice %arg4[%mul3A_2, %dma_wait3A_357] : memref<100096x256xf32, #tpu.memory_space<hbm>> -> memref<128x256xf32, #tpu.memory_space<hbm>>
        %dma_wait3A_359 = arith.constant 0 : i32
        %dma_wait3A_360 = tpu.memref_slice %arg4[%mul3A_2, %dma_wait3A_359] : memref<100096x256xf32, #tpu.memory_space<hbm>> -> memref<128x256xf32, #tpu.memory_space<hbm>>
        %dma_wait3A_361 = arith.constant 0 : i32
        %dma_wait3A_362 = arith.constant 0 : i32
        %dma_wait3A_363 = tpu.memref_slice %arg6[%dma_wait3A_352, %dma_wait3A_361, %dma_wait3A_362] : memref<3x128x256xf32, #tpu.memory_space<vmem>> -> memref<1x128x256xf32, #tpu.memory_space<vmem>>
        %dma_wait3A_364 = tpu.memref_squeeze %dma_wait3A_363 : memref<1x128x256xf32, #tpu.memory_space<vmem>> -> memref<128x256xf32, #tpu.memory_space<vmem>>
        tpu.wait_dma2 semaphore(%arg10 : memref<!tpu.dma_semaphore, #tpu.memory_space<semaphore_mem>>) src(%dma_wait3A_364 : memref<128x256xf32, #tpu.memory_space<vmem>>) dst(%dma_wait3A_360 : memref<128x256xf32, #tpu.memory_space<hbm>>)
      } else {
      }
      %add3A_293 = arith.constant 2 : i32
      %add3A_294 = arith.addi %add3A_261, %add3A_293 : i32
      %mul3A_295 = arith.constant 128 : i32
      %mul3A_296 = arith.muli %add3A_294, %mul3A_295 : i32
      %dma_start3A_297 = arith.constant 0 : i32
      %dma_start3A_298 = arith.constant 0 : i32
      %dma_start3A_299 = arith.constant 0 : i32
      %dma_start3A_300 = tpu.memref_slice %arg6[%dma_start3A_297, %dma_start3A_298, %dma_start3A_299] : memref<3x128x256xf32, #tpu.memory_space<vmem>> -> memref<1x128x256xf32, #tpu.memory_space<vmem>>
      %dma_start3A_301 = tpu.memref_squeeze %dma_start3A_300 : memref<1x128x256xf32, #tpu.memory_space<vmem>> -> memref<128x256xf32, #tpu.memory_space<vmem>>
      %dma_start3A_302 = tpu.memref_slice %arg5[%mul3A_296] : memref<3200xi32, #tpu.memory_space<vmem>> -> memref<128xi32, #tpu.memory_space<vmem>>
      %dma_start3A_303 = arith.constant 0 : i32
      %dma_start3A_304 = arith.constant 0 : i32
      %dma_start3A_305 = tpu.memref_slice %arg2[%dma_start3A_303, %dma_start3A_304] : memref<50000x256xf32, #tpu.memory_space<hbm>> -> memref<50000x256xf32, #tpu.memory_space<hbm>>
      tpu.enqueue_indirect_dma source(%dma_start3A_305 : memref<50000x256xf32, #tpu.memory_space<hbm>>) target(%dma_start3A_301 : memref<128x256xf32, #tpu.memory_space<vmem>>) offsets(%dma_start3A_302 : memref<128xi32, #tpu.memory_space<vmem>>) semaphore(%arg7 : memref<!tpu.dma_semaphore, #tpu.memory_space<semaphore_mem>>)
      %add3A_306 = arith.constant 2 : i32
      %add3A_307 = arith.addi %add3A_216, %add3A_306 : i32
      %dma_wait3A_308 = arith.constant 2 : i32
      %dma_wait3A_309 = arith.constant 0 : i32
      %dma_wait3A_310 = arith.constant 0 : i32
      %dma_wait3A_311 = tpu.memref_slice %arg6[%dma_wait3A_308, %dma_wait3A_309, %dma_wait3A_310] : memref<3x128x256xf32, #tpu.memory_space<vmem>> -> memref<1x128x256xf32, #tpu.memory_space<vmem>>
      %dma_wait3A_312 = tpu.memref_squeeze %dma_wait3A_311 : memref<1x128x256xf32, #tpu.memory_space<vmem>> -> memref<128x256xf32, #tpu.memory_space<vmem>>
      %dma_wait3A_313 = arith.constant 0 : i32
      %dma_wait3A_314 = tpu.memref_slice %arg5[%dma_wait3A_313] : memref<3200xi32, #tpu.memory_space<vmem>> -> memref<128xi32, #tpu.memory_space<vmem>>
      %dma_wait3A_315 = arith.constant 0 : i32
      %dma_wait3A_316 = arith.constant 0 : i32
      %dma_wait3A_317 = tpu.memref_slice %arg2[%dma_wait3A_315, %dma_wait3A_316] : memref<50000x256xf32, #tpu.memory_space<hbm>> -> memref<50000x256xf32, #tpu.memory_space<hbm>>
      tpu.wait_indirect_dma semaphore(%arg9 : memref<!tpu.dma_semaphore, #tpu.memory_space<semaphore_mem>>) src(%dma_wait3A_317 : memref<50000x256xf32, #tpu.memory_space<hbm>>) dst(%dma_wait3A_312 : memref<128x256xf32, #tpu.memory_space<vmem>>)
      %mul3A_318 = arith.constant 128 : i32
      %mul3A_319 = arith.muli %add3A_307, %mul3A_318 : i32
      %add3A_320 = arith.addi %mul3A_2, %mul3A_319 : i32
      %dma_start3A_321 = arith.constant 2 : i32
      %dma_start3A_322 = arith.constant 0 : i32
      %dma_start3A_323 = arith.constant 0 : i32
      %dma_start3A_324 = tpu.memref_slice %arg6[%dma_start3A_321, %dma_start3A_322, %dma_start3A_323] : memref<3x128x256xf32, #tpu.memory_space<vmem>> -> memref<1x128x256xf32, #tpu.memory_space<vmem>>
      %dma_start3A_325 = tpu.memref_squeeze %dma_start3A_324 : memref<1x128x256xf32, #tpu.memory_space<vmem>> -> memref<128x256xf32, #tpu.memory_space<vmem>>
      %dma_start3A_326 = arith.constant 0 : i32
      %dma_start3A_327 = tpu.memref_slice %arg4[%add3A_320, %dma_start3A_326] : memref<100096x256xf32, #tpu.memory_space<hbm>> -> memref<128x256xf32, #tpu.memory_space<hbm>>
      %dma_start3A_328 = arith.constant 0 : i32
      %dma_start3A_329 = tpu.memref_slice %arg4[%add3A_320, %dma_start3A_328] : memref<100096x256xf32, #tpu.memory_space<hbm>> -> memref<128x256xf32, #tpu.memory_space<hbm>>
      %dma_start3A_330 = arith.constant 0 : i32
      %dma_start3A_331 = arith.constant 0 : i32
      %dma_start3A_332 = tpu.memref_slice %arg6[%dma_start3A_321, %dma_start3A_330, %dma_start3A_331] : memref<3x128x256xf32, #tpu.memory_space<vmem>> -> memref<1x128x256xf32, #tpu.memory_space<vmem>>
      %dma_start3A_333 = tpu.memref_squeeze %dma_start3A_332 : memref<1x128x256xf32, #tpu.memory_space<vmem>> -> memref<128x256xf32, #tpu.memory_space<vmem>>
      tpu.enqueue_dma source(%dma_start3A_333 : memref<128x256xf32, #tpu.memory_space<vmem>>) target(%dma_start3A_329 : memref<128x256xf32, #tpu.memory_space<hbm>>) target_semaphore(%arg12 : memref<!tpu.dma_semaphore, #tpu.memory_space<semaphore_mem>>)
      %ge3A_334 = arith.constant 1 : i32
      %ge3A_335 = arith.cmpi sge, %add3A_307, %ge3A_334 : i32
      %convert_element_type3A_336 = arith.extui %ge3A_335 : i1 to i32
      %cond3A_337 = arith.constant 0 : i32
      %cond3A_338 = arith.cmpi ne, %convert_element_type3A_336, %cond3A_337 : i32
      scf.if %cond3A_338 {
        %dma_wait3A_352 = arith.constant 1 : i32
        %dma_wait3A_353 = arith.constant 0 : i32
        %dma_wait3A_354 = arith.constant 0 : i32
        %dma_wait3A_355 = tpu.memref_slice %arg6[%dma_wait3A_352, %dma_wait3A_353, %dma_wait3A_354] : memref<3x128x256xf32, #tpu.memory_space<vmem>> -> memref<1x128x256xf32, #tpu.memory_space<vmem>>
        %dma_wait3A_356 = tpu.memref_squeeze %dma_wait3A_355 : memref<1x128x256xf32, #tpu.memory_space<vmem>> -> memref<128x256xf32, #tpu.memory_space<vmem>>
        %dma_wait3A_357 = arith.constant 0 : i32
        %dma_wait3A_358 = tpu.memref_slice %arg4[%mul3A_2, %dma_wait3A_357] : memref<100096x256xf32, #tpu.memory_space<hbm>> -> memref<128x256xf32, #tpu.memory_space<hbm>>
        %dma_wait3A_359 = arith.constant 0 : i32
        %dma_wait3A_360 = tpu.memref_slice %arg4[%mul3A_2, %dma_wait3A_359] : memref<100096x256xf32, #tpu.memory_space<hbm>> -> memref<128x256xf32, #tpu.memory_space<hbm>>
        %dma_wait3A_361 = arith.constant 0 : i32
        %dma_wait3A_362 = arith.constant 0 : i32
        %dma_wait3A_363 = tpu.memref_slice %arg6[%dma_wait3A_352, %dma_wait3A_361, %dma_wait3A_362] : memref<3x128x256xf32, #tpu.memory_space<vmem>> -> memref<1x128x256xf32, #tpu.memory_space<vmem>>
        %dma_wait3A_364 = tpu.memref_squeeze %dma_wait3A_363 : memref<1x128x256xf32, #tpu.memory_space<vmem>> -> memref<128x256xf32, #tpu.memory_space<vmem>>
        tpu.wait_dma2 semaphore(%arg11 : memref<!tpu.dma_semaphore, #tpu.memory_space<semaphore_mem>>) src(%dma_wait3A_364 : memref<128x256xf32, #tpu.memory_space<vmem>>) dst(%dma_wait3A_360 : memref<128x256xf32, #tpu.memory_space<hbm>>)
      } else {
      }
      %add3A_339 = arith.constant 2 : i32
      %add3A_340 = arith.addi %add3A_307, %add3A_339 : i32
      %mul3A_341 = arith.constant 128 : i32
      %mul3A_342 = arith.muli %add3A_340, %mul3A_341 : i32
      %dma_start3A_343 = arith.constant 1 : i32
      %dma_start3A_344 = arith.constant 0 : i32
      %dma_start3A_345 = arith.constant 0 : i32
      %dma_start3A_346 = tpu.memref_slice %arg6[%dma_start3A_343, %dma_start3A_344, %dma_start3A_345] : memref<3x128x256xf32, #tpu.memory_space<vmem>> -> memref<1x128x256xf32, #tpu.memory_space<vmem>>
      %dma_start3A_347 = tpu.memref_squeeze %dma_start3A_346 : memref<1x128x256xf32, #tpu.memory_space<vmem>> -> memref<128x256xf32, #tpu.memory_space<vmem>>
      %dma_start3A_348 = tpu.memref_slice %arg5[%mul3A_342] : memref<3200xi32, #tpu.memory_space<vmem>> -> memref<128xi32, #tpu.memory_space<vmem>>
      %dma_start3A_349 = arith.constant 0 : i32
      %dma_start3A_350 = arith.constant 0 : i32
      %dma_start3A_351 = tpu.memref_slice %arg2[%dma_start3A_349, %dma_start3A_350] : memref<50000x256xf32, #tpu.memory_space<hbm>> -> memref<50000x256xf32, #tpu.memory_space<hbm>>
      tpu.enqueue_indirect_dma source(%dma_start3A_351 : memref<50000x256xf32, #tpu.memory_space<hbm>>) target(%dma_start3A_347 : memref<128x256xf32, #tpu.memory_space<vmem>>) offsets(%dma_start3A_348 : memref<128xi32, #tpu.memory_space<vmem>>) semaphore(%arg8 : memref<!tpu.dma_semaphore, #tpu.memory_space<semaphore_mem>>)
    }
    %scan3A_27 = arith.constant 7 : i32
    %dma_wait3A = arith.constant 0 : i32
    %dma_wait3A_28 = arith.constant 0 : i32
    %dma_wait3A_29 = arith.constant 0 : i32
    %dma_wait3A_30 = tpu.memref_slice %arg6[%dma_wait3A, %dma_wait3A_28, %dma_wait3A_29] : memref<3x128x256xf32, #tpu.memory_space<vmem>> -> memref<1x128x256xf32, #tpu.memory_space<vmem>>
    %dma_wait3A_31 = tpu.memref_squeeze %dma_wait3A_30 : memref<1x128x256xf32, #tpu.memory_space<vmem>> -> memref<128x256xf32, #tpu.memory_space<vmem>>
    %dma_wait3A_32 = arith.constant 0 : i32
    %dma_wait3A_33 = tpu.memref_slice %arg5[%dma_wait3A_32] : memref<3200xi32, #tpu.memory_space<vmem>> -> memref<128xi32, #tpu.memory_space<vmem>>
    %dma_wait3A_34 = arith.constant 0 : i32
    %dma_wait3A_35 = arith.constant 0 : i32
    %dma_wait3A_36 = tpu.memref_slice %arg2[%dma_wait3A_34, %dma_wait3A_35] : memref<50000x256xf32, #tpu.memory_space<hbm>> -> memref<50000x256xf32, #tpu.memory_space<hbm>>
    tpu.wait_indirect_dma semaphore(%arg7 : memref<!tpu.dma_semaphore, #tpu.memory_space<semaphore_mem>>) src(%dma_wait3A_36 : memref<50000x256xf32, #tpu.memory_space<hbm>>) dst(%dma_wait3A_31 : memref<128x256xf32, #tpu.memory_space<vmem>>)
    %add3A_37 = arith.constant 2688 : i32
    %add3A_38 = arith.addi %mul3A_2, %add3A_37 : i32
    %dma_start3A_39 = arith.constant 0 : i32
    %dma_start3A_40 = arith.constant 0 : i32
    %dma_start3A_41 = arith.constant 0 : i32
    %dma_start3A_42 = tpu.memref_slice %arg6[%dma_start3A_39, %dma_start3A_40, %dma_start3A_41] : memref<3x128x256xf32, #tpu.memory_space<vmem>> -> memref<1x128x256xf32, #tpu.memory_space<vmem>>
    %dma_start3A_43 = tpu.memref_squeeze %dma_start3A_42 : memref<1x128x256xf32, #tpu.memory_space<vmem>> -> memref<128x256xf32, #tpu.memory_space<vmem>>
    %dma_start3A_44 = arith.constant 0 : i32
    %dma_start3A_45 = tpu.memref_slice %arg4[%add3A_38, %dma_start3A_44] : memref<100096x256xf32, #tpu.memory_space<hbm>> -> memref<128x256xf32, #tpu.memory_space<hbm>>
    %dma_start3A_46 = arith.constant 0 : i32
    %dma_start3A_47 = tpu.memref_slice %arg4[%add3A_38, %dma_start3A_46] : memref<100096x256xf32, #tpu.memory_space<hbm>> -> memref<128x256xf32, #tpu.memory_space<hbm>>
    %dma_start3A_48 = arith.constant 0 : i32
    %dma_start3A_49 = arith.constant 0 : i32
    %dma_start3A_50 = tpu.memref_slice %arg6[%dma_start3A_39, %dma_start3A_48, %dma_start3A_49] : memref<3x128x256xf32, #tpu.memory_space<vmem>> -> memref<1x128x256xf32, #tpu.memory_space<vmem>>
    %dma_start3A_51 = tpu.memref_squeeze %dma_start3A_50 : memref<1x128x256xf32, #tpu.memory_space<vmem>> -> memref<128x256xf32, #tpu.memory_space<vmem>>
    tpu.enqueue_dma source(%dma_start3A_51 : memref<128x256xf32, #tpu.memory_space<vmem>>) target(%dma_start3A_47 : memref<128x256xf32, #tpu.memory_space<hbm>>) target_semaphore(%arg10 : memref<!tpu.dma_semaphore, #tpu.memory_space<semaphore_mem>>)
    %dma_wait3A_52 = arith.constant 2 : i32
    %dma_wait3A_53 = arith.constant 0 : i32
    %dma_wait3A_54 = arith.constant 0 : i32
    %dma_wait3A_55 = tpu.memref_slice %arg6[%dma_wait3A_52, %dma_wait3A_53, %dma_wait3A_54] : memref<3x128x256xf32, #tpu.memory_space<vmem>> -> memref<1x128x256xf32, #tpu.memory_space<vmem>>
    %dma_wait3A_56 = tpu.memref_squeeze %dma_wait3A_55 : memref<1x128x256xf32, #tpu.memory_space<vmem>> -> memref<128x256xf32, #tpu.memory_space<vmem>>
    %dma_wait3A_57 = arith.constant 0 : i32
    %dma_wait3A_58 = tpu.memref_slice %arg4[%mul3A_2, %dma_wait3A_57] : memref<100096x256xf32, #tpu.memory_space<hbm>> -> memref<128x256xf32, #tpu.memory_space<hbm>>
    %dma_wait3A_59 = arith.constant 0 : i32
    %dma_wait3A_60 = tpu.memref_slice %arg4[%mul3A_2, %dma_wait3A_59] : memref<100096x256xf32, #tpu.memory_space<hbm>> -> memref<128x256xf32, #tpu.memory_space<hbm>>
    %dma_wait3A_61 = arith.constant 0 : i32
    %dma_wait3A_62 = arith.constant 0 : i32
    %dma_wait3A_63 = tpu.memref_slice %arg6[%dma_wait3A_52, %dma_wait3A_61, %dma_wait3A_62] : memref<3x128x256xf32, #tpu.memory_space<vmem>> -> memref<1x128x256xf32, #tpu.memory_space<vmem>>
    %dma_wait3A_64 = tpu.memref_squeeze %dma_wait3A_63 : memref<1x128x256xf32, #tpu.memory_space<vmem>> -> memref<128x256xf32, #tpu.memory_space<vmem>>
    tpu.wait_dma2 semaphore(%arg12 : memref<!tpu.dma_semaphore, #tpu.memory_space<semaphore_mem>>) src(%dma_wait3A_64 : memref<128x256xf32, #tpu.memory_space<vmem>>) dst(%dma_wait3A_60 : memref<128x256xf32, #tpu.memory_space<hbm>>)
    %dma_start3A_65 = arith.constant 2 : i32
    %dma_start3A_66 = arith.constant 0 : i32
    %dma_start3A_67 = arith.constant 0 : i32
    %dma_start3A_68 = tpu.memref_slice %arg6[%dma_start3A_65, %dma_start3A_66, %dma_start3A_67] : memref<3x128x256xf32, #tpu.memory_space<vmem>> -> memref<1x128x256xf32, #tpu.memory_space<vmem>>
    %dma_start3A_69 = tpu.memref_squeeze %dma_start3A_68 : memref<1x128x256xf32, #tpu.memory_space<vmem>> -> memref<128x256xf32, #tpu.memory_space<vmem>>
    %dma_start3A_70 = arith.constant 2944 : i32
    %dma_start3A_71 = tpu.memref_slice %arg5[%dma_start3A_70] : memref<3200xi32, #tpu.memory_space<vmem>> -> memref<128xi32, #tpu.memory_space<vmem>>
    %dma_start3A_72 = arith.constant 0 : i32
    %dma_start3A_73 = arith.constant 0 : i32
    %dma_start3A_74 = tpu.memref_slice %arg2[%dma_start3A_72, %dma_start3A_73] : memref<50000x256xf32, #tpu.memory_space<hbm>> -> memref<50000x256xf32, #tpu.memory_space<hbm>>
    tpu.enqueue_indirect_dma source(%dma_start3A_74 : memref<50000x256xf32, #tpu.memory_space<hbm>>) target(%dma_start3A_69 : memref<128x256xf32, #tpu.memory_space<vmem>>) offsets(%dma_start3A_71 : memref<128xi32, #tpu.memory_space<vmem>>) semaphore(%arg9 : memref<!tpu.dma_semaphore, #tpu.memory_space<semaphore_mem>>)
    %dma_wait3A_75 = arith.constant 1 : i32
    %dma_wait3A_76 = arith.constant 0 : i32
    %dma_wait3A_77 = arith.constant 0 : i32
    %dma_wait3A_78 = tpu.memref_slice %arg6[%dma_wait3A_75, %dma_wait3A_76, %dma_wait3A_77] : memref<3x128x256xf32, #tpu.memory_space<vmem>> -> memref<1x128x256xf32, #tpu.memory_space<vmem>>
    %dma_wait3A_79 = tpu.memref_squeeze %dma_wait3A_78 : memref<1x128x256xf32, #tpu.memory_space<vmem>> -> memref<128x256xf32, #tpu.memory_space<vmem>>
    %dma_wait3A_80 = arith.constant 0 : i32
    %dma_wait3A_81 = tpu.memref_slice %arg5[%dma_wait3A_80] : memref<3200xi32, #tpu.memory_space<vmem>> -> memref<128xi32, #tpu.memory_space<vmem>>
    %dma_wait3A_82 = arith.constant 0 : i32
    %dma_wait3A_83 = arith.constant 0 : i32
    %dma_wait3A_84 = tpu.memref_slice %arg2[%dma_wait3A_82, %dma_wait3A_83] : memref<50000x256xf32, #tpu.memory_space<hbm>> -> memref<50000x256xf32, #tpu.memory_space<hbm>>
    tpu.wait_indirect_dma semaphore(%arg8 : memref<!tpu.dma_semaphore, #tpu.memory_space<semaphore_mem>>) src(%dma_wait3A_84 : memref<50000x256xf32, #tpu.memory_space<hbm>>) dst(%dma_wait3A_79 : memref<128x256xf32, #tpu.memory_space<vmem>>)
    %add3A_85 = arith.constant 2816 : i32
    %add3A_86 = arith.addi %mul3A_2, %add3A_85 : i32
    %dma_start3A_87 = arith.constant 1 : i32
    %dma_start3A_88 = arith.constant 0 : i32
    %dma_start3A_89 = arith.constant 0 : i32
    %dma_start3A_90 = tpu.memref_slice %arg6[%dma_start3A_87, %dma_start3A_88, %dma_start3A_89] : memref<3x128x256xf32, #tpu.memory_space<vmem>> -> memref<1x128x256xf32, #tpu.memory_space<vmem>>
    %dma_start3A_91 = tpu.memref_squeeze %dma_start3A_90 : memref<1x128x256xf32, #tpu.memory_space<vmem>> -> memref<128x256xf32, #tpu.memory_space<vmem>>
    %dma_start3A_92 = arith.constant 0 : i32
    %dma_start3A_93 = tpu.memref_slice %arg4[%add3A_86, %dma_start3A_92] : memref<100096x256xf32, #tpu.memory_space<hbm>> -> memref<128x256xf32, #tpu.memory_space<hbm>>
    %dma_start3A_94 = arith.constant 0 : i32
    %dma_start3A_95 = tpu.memref_slice %arg4[%add3A_86, %dma_start3A_94] : memref<100096x256xf32, #tpu.memory_space<hbm>> -> memref<128x256xf32, #tpu.memory_space<hbm>>
    %dma_start3A_96 = arith.constant 0 : i32
    %dma_start3A_97 = arith.constant 0 : i32
    %dma_start3A_98 = tpu.memref_slice %arg6[%dma_start3A_87, %dma_start3A_96, %dma_start3A_97] : memref<3x128x256xf32, #tpu.memory_space<vmem>> -> memref<1x128x256xf32, #tpu.memory_space<vmem>>
    %dma_start3A_99 = tpu.memref_squeeze %dma_start3A_98 : memref<1x128x256xf32, #tpu.memory_space<vmem>> -> memref<128x256xf32, #tpu.memory_space<vmem>>
    tpu.enqueue_dma source(%dma_start3A_99 : memref<128x256xf32, #tpu.memory_space<vmem>>) target(%dma_start3A_95 : memref<128x256xf32, #tpu.memory_space<hbm>>) target_semaphore(%arg11 : memref<!tpu.dma_semaphore, #tpu.memory_space<semaphore_mem>>)
    %dma_wait3A_100 = arith.constant 0 : i32
    %dma_wait3A_101 = arith.constant 0 : i32
    %dma_wait3A_102 = arith.constant 0 : i32
    %dma_wait3A_103 = tpu.memref_slice %arg6[%dma_wait3A_100, %dma_wait3A_101, %dma_wait3A_102] : memref<3x128x256xf32, #tpu.memory_space<vmem>> -> memref<1x128x256xf32, #tpu.memory_space<vmem>>
    %dma_wait3A_104 = tpu.memref_squeeze %dma_wait3A_103 : memref<1x128x256xf32, #tpu.memory_space<vmem>> -> memref<128x256xf32, #tpu.memory_space<vmem>>
    %dma_wait3A_105 = arith.constant 0 : i32
    %dma_wait3A_106 = tpu.memref_slice %arg4[%mul3A_2, %dma_wait3A_105] : memref<100096x256xf32, #tpu.memory_space<hbm>> -> memref<128x256xf32, #tpu.memory_space<hbm>>
    %dma_wait3A_107 = arith.constant 0 : i32
    %dma_wait3A_108 = tpu.memref_slice %arg4[%mul3A_2, %dma_wait3A_107] : memref<100096x256xf32, #tpu.memory_space<hbm>> -> memref<128x256xf32, #tpu.memory_space<hbm>>
    %dma_wait3A_109 = arith.constant 0 : i32
    %dma_wait3A_110 = arith.constant 0 : i32
    %dma_wait3A_111 = tpu.memref_slice %arg6[%dma_wait3A_100, %dma_wait3A_109, %dma_wait3A_110] : memref<3x128x256xf32, #tpu.memory_space<vmem>> -> memref<1x128x256xf32, #tpu.memory_space<vmem>>
    %dma_wait3A_112 = tpu.memref_squeeze %dma_wait3A_111 : memref<1x128x256xf32, #tpu.memory_space<vmem>> -> memref<128x256xf32, #tpu.memory_space<vmem>>
    tpu.wait_dma2 semaphore(%arg10 : memref<!tpu.dma_semaphore, #tpu.memory_space<semaphore_mem>>) src(%dma_wait3A_112 : memref<128x256xf32, #tpu.memory_space<vmem>>) dst(%dma_wait3A_108 : memref<128x256xf32, #tpu.memory_space<hbm>>)
    %dma_start3A_113 = arith.constant 0 : i32
    %dma_start3A_114 = arith.constant 0 : i32
    %dma_start3A_115 = arith.constant 0 : i32
    %dma_start3A_116 = tpu.memref_slice %arg6[%dma_start3A_113, %dma_start3A_114, %dma_start3A_115] : memref<3x128x256xf32, #tpu.memory_space<vmem>> -> memref<1x128x256xf32, #tpu.memory_space<vmem>>
    %dma_start3A_117 = tpu.memref_squeeze %dma_start3A_116 : memref<1x128x256xf32, #tpu.memory_space<vmem>> -> memref<128x256xf32, #tpu.memory_space<vmem>>
    %dma_start3A_118 = arith.constant 3072 : i32
    %dma_start3A_119 = tpu.memref_slice %arg5[%dma_start3A_118] : memref<3200xi32, #tpu.memory_space<vmem>> -> memref<128xi32, #tpu.memory_space<vmem>>
    %dma_start3A_120 = arith.constant 0 : i32
    %dma_start3A_121 = arith.constant 0 : i32
    %dma_start3A_122 = tpu.memref_slice %arg2[%dma_start3A_120, %dma_start3A_121] : memref<50000x256xf32, #tpu.memory_space<hbm>> -> memref<50000x256xf32, #tpu.memory_space<hbm>>
    tpu.enqueue_indirect_dma source(%dma_start3A_122 : memref<50000x256xf32, #tpu.memory_space<hbm>>) target(%dma_start3A_117 : memref<128x256xf32, #tpu.memory_space<vmem>>) offsets(%dma_start3A_119 : memref<128xi32, #tpu.memory_space<vmem>>) semaphore(%arg7 : memref<!tpu.dma_semaphore, #tpu.memory_space<semaphore_mem>>)
    %dma_wait3A_123 = arith.constant 2 : i32
    %dma_wait3A_124 = arith.constant 0 : i32
    %dma_wait3A_125 = arith.constant 0 : i32
    %dma_wait3A_126 = tpu.memref_slice %arg6[%dma_wait3A_123, %dma_wait3A_124, %dma_wait3A_125] : memref<3x128x256xf32, #tpu.memory_space<vmem>> -> memref<1x128x256xf32, #tpu.memory_space<vmem>>
    %dma_wait3A_127 = tpu.memref_squeeze %dma_wait3A_126 : memref<1x128x256xf32, #tpu.memory_space<vmem>> -> memref<128x256xf32, #tpu.memory_space<vmem>>
    %dma_wait3A_128 = arith.constant 0 : i32
    %dma_wait3A_129 = tpu.memref_slice %arg5[%dma_wait3A_128] : memref<3200xi32, #tpu.memory_space<vmem>> -> memref<128xi32, #tpu.memory_space<vmem>>
    %dma_wait3A_130 = arith.constant 0 : i32
    %dma_wait3A_131 = arith.constant 0 : i32
    %dma_wait3A_132 = tpu.memref_slice %arg2[%dma_wait3A_130, %dma_wait3A_131] : memref<50000x256xf32, #tpu.memory_space<hbm>> -> memref<50000x256xf32, #tpu.memory_space<hbm>>
    tpu.wait_indirect_dma semaphore(%arg9 : memref<!tpu.dma_semaphore, #tpu.memory_space<semaphore_mem>>) src(%dma_wait3A_132 : memref<50000x256xf32, #tpu.memory_space<hbm>>) dst(%dma_wait3A_127 : memref<128x256xf32, #tpu.memory_space<vmem>>)
    %add3A_133 = arith.constant 2944 : i32
    %add3A_134 = arith.addi %mul3A_2, %add3A_133 : i32
    %dma_start3A_135 = arith.constant 2 : i32
    %dma_start3A_136 = arith.constant 0 : i32
    %dma_start3A_137 = arith.constant 0 : i32
    %dma_start3A_138 = tpu.memref_slice %arg6[%dma_start3A_135, %dma_start3A_136, %dma_start3A_137] : memref<3x128x256xf32, #tpu.memory_space<vmem>> -> memref<1x128x256xf32, #tpu.memory_space<vmem>>
    %dma_start3A_139 = tpu.memref_squeeze %dma_start3A_138 : memref<1x128x256xf32, #tpu.memory_space<vmem>> -> memref<128x256xf32, #tpu.memory_space<vmem>>
    %dma_start3A_140 = arith.constant 0 : i32
    %dma_start3A_141 = tpu.memref_slice %arg4[%add3A_134, %dma_start3A_140] : memref<100096x256xf32, #tpu.memory_space<hbm>> -> memref<128x256xf32, #tpu.memory_space<hbm>>
    %dma_start3A_142 = arith.constant 0 : i32
    %dma_start3A_143 = tpu.memref_slice %arg4[%add3A_134, %dma_start3A_142] : memref<100096x256xf32, #tpu.memory_space<hbm>> -> memref<128x256xf32, #tpu.memory_space<hbm>>
    %dma_start3A_144 = arith.constant 0 : i32
    %dma_start3A_145 = arith.constant 0 : i32
    %dma_start3A_146 = tpu.memref_slice %arg6[%dma_start3A_135, %dma_start3A_144, %dma_start3A_145] : memref<3x128x256xf32, #tpu.memory_space<vmem>> -> memref<1x128x256xf32, #tpu.memory_space<vmem>>
    %dma_start3A_147 = tpu.memref_squeeze %dma_start3A_146 : memref<1x128x256xf32, #tpu.memory_space<vmem>> -> memref<128x256xf32, #tpu.memory_space<vmem>>
    tpu.enqueue_dma source(%dma_start3A_147 : memref<128x256xf32, #tpu.memory_space<vmem>>) target(%dma_start3A_143 : memref<128x256xf32, #tpu.memory_space<hbm>>) target_semaphore(%arg12 : memref<!tpu.dma_semaphore, #tpu.memory_space<semaphore_mem>>)
    %dma_wait3A_148 = arith.constant 1 : i32
    %dma_wait3A_149 = arith.constant 0 : i32
    %dma_wait3A_150 = arith.constant 0 : i32
    %dma_wait3A_151 = tpu.memref_slice %arg6[%dma_wait3A_148, %dma_wait3A_149, %dma_wait3A_150] : memref<3x128x256xf32, #tpu.memory_space<vmem>> -> memref<1x128x256xf32, #tpu.memory_space<vmem>>
    %dma_wait3A_152 = tpu.memref_squeeze %dma_wait3A_151 : memref<1x128x256xf32, #tpu.memory_space<vmem>> -> memref<128x256xf32, #tpu.memory_space<vmem>>
    %dma_wait3A_153 = arith.constant 0 : i32
    %dma_wait3A_154 = tpu.memref_slice %arg4[%mul3A_2, %dma_wait3A_153] : memref<100096x256xf32, #tpu.memory_space<hbm>> -> memref<128x256xf32, #tpu.memory_space<hbm>>
    %dma_wait3A_155 = arith.constant 0 : i32
    %dma_wait3A_156 = tpu.memref_slice %arg4[%mul3A_2, %dma_wait3A_155] : memref<100096x256xf32, #tpu.memory_space<hbm>> -> memref<128x256xf32, #tpu.memory_space<hbm>>
    %dma_wait3A_157 = arith.constant 0 : i32
    %dma_wait3A_158 = arith.constant 0 : i32
    %dma_wait3A_159 = tpu.memref_slice %arg6[%dma_wait3A_148, %dma_wait3A_157, %dma_wait3A_158] : memref<3x128x256xf32, #tpu.memory_space<vmem>> -> memref<1x128x256xf32, #tpu.memory_space<vmem>>
    %dma_wait3A_160 = tpu.memref_squeeze %dma_wait3A_159 : memref<1x128x256xf32, #tpu.memory_space<vmem>> -> memref<128x256xf32, #tpu.memory_space<vmem>>
    tpu.wait_dma2 semaphore(%arg11 : memref<!tpu.dma_semaphore, #tpu.memory_space<semaphore_mem>>) src(%dma_wait3A_160 : memref<128x256xf32, #tpu.memory_space<vmem>>) dst(%dma_wait3A_156 : memref<128x256xf32, #tpu.memory_space<hbm>>)
    %dma_wait3A_161 = arith.constant 0 : i32
    %dma_wait3A_162 = arith.constant 0 : i32
    %dma_wait3A_163 = arith.constant 0 : i32
    %dma_wait3A_164 = tpu.memref_slice %arg6[%dma_wait3A_161, %dma_wait3A_162, %dma_wait3A_163] : memref<3x128x256xf32, #tpu.memory_space<vmem>> -> memref<1x128x256xf32, #tpu.memory_space<vmem>>
    %dma_wait3A_165 = tpu.memref_squeeze %dma_wait3A_164 : memref<1x128x256xf32, #tpu.memory_space<vmem>> -> memref<128x256xf32, #tpu.memory_space<vmem>>
    %dma_wait3A_166 = arith.constant 0 : i32
    %dma_wait3A_167 = tpu.memref_slice %arg5[%dma_wait3A_166] : memref<3200xi32, #tpu.memory_space<vmem>> -> memref<128xi32, #tpu.memory_space<vmem>>
    %dma_wait3A_168 = arith.constant 0 : i32
    %dma_wait3A_169 = arith.constant 0 : i32
    %dma_wait3A_170 = tpu.memref_slice %arg2[%dma_wait3A_168, %dma_wait3A_169] : memref<50000x256xf32, #tpu.memory_space<hbm>> -> memref<50000x256xf32, #tpu.memory_space<hbm>>
    tpu.wait_indirect_dma semaphore(%arg7 : memref<!tpu.dma_semaphore, #tpu.memory_space<semaphore_mem>>) src(%dma_wait3A_170 : memref<50000x256xf32, #tpu.memory_space<hbm>>) dst(%dma_wait3A_165 : memref<128x256xf32, #tpu.memory_space<vmem>>)
    %add3A_171 = arith.constant 3072 : i32
    %add3A_172 = arith.addi %mul3A_2, %add3A_171 : i32
    %dma_start3A_173 = arith.constant 0 : i32
    %dma_start3A_174 = arith.constant 0 : i32
    %dma_start3A_175 = arith.constant 0 : i32
    %dma_start3A_176 = tpu.memref_slice %arg6[%dma_start3A_173, %dma_start3A_174, %dma_start3A_175] : memref<3x128x256xf32, #tpu.memory_space<vmem>> -> memref<1x56x256xf32, #tpu.memory_space<vmem>>
    %dma_start3A_177 = tpu.memref_squeeze %dma_start3A_176 : memref<1x56x256xf32, #tpu.memory_space<vmem>> -> memref<56x256xf32, #tpu.memory_space<vmem>>
    %dma_start3A_178 = arith.constant 0 : i32
    %dma_start3A_179 = tpu.memref_slice %arg4[%add3A_172, %dma_start3A_178] : memref<100096x256xf32, #tpu.memory_space<hbm>> -> memref<56x256xf32, #tpu.memory_space<hbm>>
    %dma_start3A_180 = arith.constant 0 : i32
    %dma_start3A_181 = tpu.memref_slice %arg4[%add3A_172, %dma_start3A_180] : memref<100096x256xf32, #tpu.memory_space<hbm>> -> memref<56x256xf32, #tpu.memory_space<hbm>>
    %dma_start3A_182 = arith.constant 0 : i32
    %dma_start3A_183 = arith.constant 0 : i32
    %dma_start3A_184 = tpu.memref_slice %arg6[%dma_start3A_173, %dma_start3A_182, %dma_start3A_183] : memref<3x128x256xf32, #tpu.memory_space<vmem>> -> memref<1x56x256xf32, #tpu.memory_space<vmem>>
    %dma_start3A_185 = tpu.memref_squeeze %dma_start3A_184 : memref<1x56x256xf32, #tpu.memory_space<vmem>> -> memref<56x256xf32, #tpu.memory_space<vmem>>
    tpu.enqueue_dma source(%dma_start3A_185 : memref<56x256xf32, #tpu.memory_space<vmem>>) target(%dma_start3A_181 : memref<56x256xf32, #tpu.memory_space<hbm>>) target_semaphore(%arg10 : memref<!tpu.dma_semaphore, #tpu.memory_space<semaphore_mem>>)
    %dma_wait3A_186 = arith.constant 2 : i32
    %dma_wait3A_187 = arith.constant 0 : i32
    %dma_wait3A_188 = arith.constant 0 : i32
    %dma_wait3A_189 = tpu.memref_slice %arg6[%dma_wait3A_186, %dma_wait3A_187, %dma_wait3A_188] : memref<3x128x256xf32, #tpu.memory_space<vmem>> -> memref<1x128x256xf32, #tpu.memory_space<vmem>>
    %dma_wait3A_190 = tpu.memref_squeeze %dma_wait3A_189 : memref<1x128x256xf32, #tpu.memory_space<vmem>> -> memref<128x256xf32, #tpu.memory_space<vmem>>
    %dma_wait3A_191 = arith.constant 0 : i32
    %dma_wait3A_192 = tpu.memref_slice %arg4[%mul3A_2, %dma_wait3A_191] : memref<100096x256xf32, #tpu.memory_space<hbm>> -> memref<128x256xf32, #tpu.memory_space<hbm>>
    %dma_wait3A_193 = arith.constant 0 : i32
    %dma_wait3A_194 = tpu.memref_slice %arg4[%mul3A_2, %dma_wait3A_193] : memref<100096x256xf32, #tpu.memory_space<hbm>> -> memref<128x256xf32, #tpu.memory_space<hbm>>
    %dma_wait3A_195 = arith.constant 0 : i32
    %dma_wait3A_196 = arith.constant 0 : i32
    %dma_wait3A_197 = tpu.memref_slice %arg6[%dma_wait3A_186, %dma_wait3A_195, %dma_wait3A_196] : memref<3x128x256xf32, #tpu.memory_space<vmem>> -> memref<1x128x256xf32, #tpu.memory_space<vmem>>
    %dma_wait3A_198 = tpu.memref_squeeze %dma_wait3A_197 : memref<1x128x256xf32, #tpu.memory_space<vmem>> -> memref<128x256xf32, #tpu.memory_space<vmem>>
    tpu.wait_dma2 semaphore(%arg12 : memref<!tpu.dma_semaphore, #tpu.memory_space<semaphore_mem>>) src(%dma_wait3A_198 : memref<128x256xf32, #tpu.memory_space<vmem>>) dst(%dma_wait3A_194 : memref<128x256xf32, #tpu.memory_space<hbm>>)
    %dma_wait3A_199 = arith.constant 0 : i32
    %dma_wait3A_200 = arith.constant 0 : i32
    %dma_wait3A_201 = arith.constant 0 : i32
    %dma_wait3A_202 = tpu.memref_slice %arg6[%dma_wait3A_199, %dma_wait3A_200, %dma_wait3A_201] : memref<3x128x256xf32, #tpu.memory_space<vmem>> -> memref<1x56x256xf32, #tpu.memory_space<vmem>>
    %dma_wait3A_203 = tpu.memref_squeeze %dma_wait3A_202 : memref<1x56x256xf32, #tpu.memory_space<vmem>> -> memref<56x256xf32, #tpu.memory_space<vmem>>
    %dma_wait3A_204 = arith.constant 0 : i32
    %dma_wait3A_205 = tpu.memref_slice %arg4[%mul3A_2, %dma_wait3A_204] : memref<100096x256xf32, #tpu.memory_space<hbm>> -> memref<56x256xf32, #tpu.memory_space<hbm>>
    %dma_wait3A_206 = arith.constant 0 : i32
    %dma_wait3A_207 = tpu.memref_slice %arg4[%mul3A_2, %dma_wait3A_206] : memref<100096x256xf32, #tpu.memory_space<hbm>> -> memref<56x256xf32, #tpu.memory_space<hbm>>
    %dma_wait3A_208 = arith.constant 0 : i32
    %dma_wait3A_209 = arith.constant 0 : i32
    %dma_wait3A_210 = tpu.memref_slice %arg6[%dma_wait3A_199, %dma_wait3A_208, %dma_wait3A_209] : memref<3x128x256xf32, #tpu.memory_space<vmem>> -> memref<1x56x256xf32, #tpu.memory_space<vmem>>
    %dma_wait3A_211 = tpu.memref_squeeze %dma_wait3A_210 : memref<1x56x256xf32, #tpu.memory_space<vmem>> -> memref<56x256xf32, #tpu.memory_space<vmem>>
    tpu.wait_dma2 semaphore(%arg10 : memref<!tpu.dma_semaphore, #tpu.memory_space<semaphore_mem>>) src(%dma_wait3A_211 : memref<56x256xf32, #tpu.memory_space<vmem>>) dst(%dma_wait3A_207 : memref<56x256xf32, #tpu.memory_space<hbm>>)
    return
  }
}

</mosaic_0001>

<sc_bundles>
// kernel: kernel.3.cloned.1.call-start
scs
__scs_entry_jumppad:
0x0: {  	(pc) =	sbr.rel $0x88, $3  }
0x1: {  	(tag) =	ssettag $0x0;
	lr =	simm.s32 $0x1  }
0x2: {  	[smem:$0x3F9F] =	sst lr;
	_ =	strace $0xD0000000  }
0x3: {  	_ = 	snop  }
0x4: {  	_ = 	snop  }
0x5: {  	_ = 	snop  }
0x6: {  	_ = 	snop  }
0x7: {  	_ = 	snop  }
__scs_overlays_trampoline_lowered:
0x8: {  	[smem:$0x3FAE] =	sst s0  }
0x9: {  	[smem:$0x3FAF] =	sst s1  }
0xa: {  	[smem:$0x3FB0] =	sst s2  }
0xb: {  	[smem:$0x3FB1] =	sst s3  }
0xc: {  	[smem:$0x3FB2] =	sst s4  }
0xd: {  	[smem:$0x3FB3] =	sst s5  }
0xe: {  	[smem:$0x3FB4] =	sst s6  }
0xf: {  	[smem:$0x3FB5] =	sst s7  }
0x10: {  	[smem:$0x3FB6] =	sst s8  }
0x11: {  	[smem:$0x3FB7] =	sst s9;
	s0 =	simm.s32 @!p0 $0x0  }
0x12: {  	s1 =	sld [smem:$0x3F9D];
	s0 =	simm.s32 @p0 $0x1  }
0x13: {  	[smem:$0x3FB8] =	sst s0;
	s0 =	simm.s32 @!p1 $0x0  }
0x14: {  	s2 =	sld [smem:$0x3F9C];
	s0 =	simm.s32 @p1 $0x1  }
0x15: {  	[smem:$0x3FB9] =	sst s0;
	s0 =	simm.s32 @!p2 $0x0  }
0x16: {  	s3 =	sld [smem:$0x3FDB];
	s0 =	simm.s32 @p2 $0x1  }
0x17: {  	s4 =	simm.s32 $0x1BF5;
	[smem:$0x3FBB] =	sst s0  }
0x18: {  	s0 =	sld [smem:$0x3F9E];
	_ =	swait.ge [sflag:s4], $0x0  }
0x19: {  	s7 =	sld [smem:$0x3F9F]  }
0x1a: {  	s8 =	sadd.s32 $0xFFFFE003, lr  }
0x1b: {  	s9 =	sadd.s32 $0xFFFFFEF7, lr;
	s5 =	simm.s32 $0xFFFFFFFF;
	p2 =	slt.u32 s8, $0xFFFFF086  }
0x1c: {  	p1 =	slt.u32 s9, $0xF7A;
	s5 =	simm.s32 @!p2 $0x0  }
0x1d: {  	s5 =	simm.s32 @p1 $0x1;
	p0 =	seq.s32 s7, s2  }
0x1e: {  	s7 =	smul.u32 @!p0 $0xF7A, s2;
	p2 =	seq.s32 @!p0 s5, $0x0  }
0x1f: {  	s9 =	smul.u32 $0xF7A, s1;
	s8 =	simm.s32 @!p0 $0x1BF5;
	p2 =	por !p2, p0  }
0x20: {  	[sflag:s8] =	ssyncset.s32 @!p0 $0xFFFFF086;
	s6 =	sadd.s32 @!p0 s3, s7;
	s7 =	simm.s32 @!p0 $0x108  }
0x21: {  	s3 =	sadd.s32 s3, s9;
	s6 =	sadd.s32 @!p0 $0x88, s6;
	s7 =	simm.s32 @p2 $0x1082  }
0x22: {  	[simem:s7], [sflag:s8] =	dma.local @!p0 [hbm:s6], $0xF7A  }
0x23: {  	s9 =	sor.u32 $0xD0000000, s2;
	s6 =	simm.s32 $0x108;
	_ =	swait.ge @!p0 [sflag:s8], $0x0  }
0x24: {  	s3 =	sadd.s32 $0x88, s3;
	s6 =	simm.s32 @!p1 $0x1082;
	[sflag:s4] =	ssyncset.s32 $0xFFFFF086  }
0x25: {  	[simem:s6], [sflag:s4] =	dma.local [hbm:s3], $0xF7A  }
0x26: {  	[smem:$0x3F9F] =	sst s1;
	(tag) =	ssettag s2;
	_ =	strace s9  }
0x27: {  	s1 =	sld [smem:$0x3FAF]  }
0x28: {  	s2 =	sld [smem:$0x3FB0]  }
0x29: {  	s4 =	sld [smem:$0x3FB2]  }
0x2a: {  	p0 =	seq.s32 s5, $0x0;
	s5 =	sld [smem:$0x3FB3]  }
0x2b: {  	s6 =	sld [smem:$0x3FB4]  }
0x2c: {  	s7 =	sld [smem:$0x3FB5]  }
0x2d: {  	s3 =	simm.s32 $0x108;
	s8 =	sld [smem:$0x3FB6]  }
0x2e: {  	s3 =	simm.s32 @!p0 $0x1082;
	s9 =	sld [smem:$0x3FB7]  }
0x2f: {  	lr =	sadd.s32 s0, s3;
	s0 =	sld [smem:$0x3FAE]  }
0x30: {  	s3 =	sld [smem:$0x3FB1]  }
0x31: {  	[smem:$0x3FBA] =	sst s10  }
0x32: {  	s10 =	sld [smem:$0x3FB8];
	_ =	sdelay $0x3  }
0x33: {  	p0 =	seq.s32 s10, $0x1;
	s10 =	sld [smem:$0x3FBA];
	_ =	sdelay $0x3  }
0x34: {  	[smem:$0x3FBA] =	sst s10  }
0x35: {  	s10 =	sld [smem:$0x3FB9];
	_ =	sdelay $0x3  }
0x36: {  	p1 =	seq.s32 s10, $0x1;
	s10 =	sld [smem:$0x3FBA];
	_ =	sdelay $0x3  }
0x37: {  	[smem:$0x3FBA] =	sst s10  }
0x38: {  	s10 =	sld [smem:$0x3FBB]  }
0x39: {  	_ = 	snop;
	(pc) =	sbr.ind lr, $3  }
0x3a: {  	_ = 	snop  }
0x3b: {  	_ = 	snop  }
0x3c: {  	p2 =	seq.s32 s10, $0x1;
	s10 =	sld [smem:$0x3FBA]  }
0x3d: {  	_ =	shalt  }
0x3e: {  	_ =	shalt  }
0x3f: {  	_ =	shalt  }
0x40: {  	_ =	shalt  }
0x41: {  	_ =	shalt  }
0x42: {  	_ =	shalt  }
0x43: {  	_ =	shalt  }
0x44: {  	_ =	shalt  }
0x45: {  	_ =	shalt  }
0x46: {  	_ =	shalt  }
0x47: {  	_ =	shalt  }
0x48: {  	_ =	shalt  }
0x49: {  	_ =	shalt  }
0x4a: {  	_ =	shalt  }
0x4b: {  	_ =	shalt  }
0x4c: {  	_ =	shalt  }
0x4d: {  	_ =	shalt  }
0x4e: {  	_ =	shalt  }
0x4f: {  	_ =	shalt  }
0x50: {  	_ =	shalt  }
0x51: {  	_ =	shalt  }
0x52: {  	_ =	shalt  }
0x53: {  	_ =	shalt  }
0x54: {  	_ =	shalt  }
0x55: {  	_ =	shalt  }
0x56: {  	_ =	shalt  }
0x57: {  	_ =	shalt  }
0x58: {  	_ =	shalt  }
0x59: {  	_ =	shalt  }
0x5a: {  	_ =	shalt  }
0x5b: {  	_ =	shalt  }
0x5c: {  	_ =	shalt  }
0x5d: {  	_ =	shalt  }
0x5e: {  	_ =	shalt  }
0x5f: {  	_ =	shalt  }
0x60: {  	_ =	shalt  }
0x61: {  	_ =	shalt  }
0x62: {  	_ =	shalt  }
0x63: {  	_ =	shalt  }
0x64: {  	_ =	shalt  }
0x65: {  	_ =	shalt  }
0x66: {  	_ =	shalt  }
0x67: {  	_ =	shalt  }
0x68: {  	_ =	shalt  }
0x69: {  	_ =	shalt  }
0x6a: {  	_ =	shalt  }
0x6b: {  	_ =	shalt  }
0x6c: {  	_ =	shalt  }
0x6d: {  	_ =	shalt  }
0x6e: {  	_ =	shalt  }
0x6f: {  	_ =	shalt  }
0x70: {  	_ =	shalt  }
0x71: {  	_ =	shalt  }
0x72: {  	_ =	shalt  }
0x73: {  	_ =	shalt  }
0x74: {  	_ =	shalt  }
0x75: {  	_ =	shalt  }
0x76: {  	_ =	shalt  }
0x77: {  	_ =	shalt  }
0x78: {  	_ =	shalt  }
0x79: {  	_ =	shalt  }
0x7a: {  	_ =	shalt  }
0x7b: {  	_ =	shalt  }
0x7c: {  	_ =	shalt  }
0x7d: {  	_ =	shalt  }
0x7e: {  	_ =	shalt  }
0x7f: {  	_ =	shalt  }
0x80: {  	_ =	shalt  }
0x81: {  	_ =	shalt  }
0x82: {  	_ =	shalt  }
0x83: {  	_ =	shalt  }
0x84: {  	_ =	shalt  }
0x85: {  	_ =	shalt  }
0x86: {  	_ =	shalt  }
0x87: {  	_ =	shalt  }
.Lfunc_end0:
.L_simem_size_0:
called_computation_lowered:
.L_overlay_start_0:
0x88: {  	s2 =	sld [smem:$0x3FD9]  }
0x89: {  	s3 =	sld [smem:$0x3FFE];
	_ =	sdelay $0x1  }
0x8a: {  	s1 =	srdreg.scid  }
0x8b: {  	s0 =	sand.u32 $0x1, s1  }
0x8c: {  	s17 =	sshll.u32 s0, $0xA;
	s2 =	sadd.s32 s3, s2  }
0x8d: {  	s2 =	sadd.s32 s2, s17  }
0x8e: {  	[smem:$0x3FC6] =	sst s2  }
0x8f: {  	_ = 	snop  }
0x90: {  	s2 =	sld [smem:$0x3FC9]  }
0x91: {  	s18 =	sld [smem:$0x3FD0];
	(tm) =	ssettm $0x1  }
0x92: {  	s4 =	sld [smem:$0x3FFB];
	_ =	sdelay $0x3  }
0x93: {  	_ =	strace s4  }
0x94: {  	s4 =	sld [smem:$0x3FFC];
	_ =	sdelay $0x3  }
0x95: {  	_ =	strace s4  }
0x96: {  	s4 =	sld [smem:$0x3FFD];
	_ =	sdelay $0x3  }
0x97: {  	_ =	strace s4  }
0x98: {  	_ =	strace $0x8FFFFFFF  }
0x99: {  	s19 =	sld [smem:$0x3FDB];
	_ =	sdelay $0x1  }
0x9a: {  	s5 =	simm.s32 $_scs_section_size  }
0x9b: {  	s6 =	simm.s32 $_size__tile_overlayer_lowered;
	s7 =	simm.s32 $_tile_overlayer_lowered  }
0x9c: {  	s22 =	simm.s32 $0x1BFF;
	s21 =	sshll.u32 s7, $0x1;
	s4 =	sadd.s32 s5, s19  }
0x9d: {  	s8 =	simm.s32 $0x0;
	s20 =	sshll.u32 s6, $0x1;
	s6 =	sadd.s32 s21, s4  }
0x9e: {  	[timem:s8], [sflag:s22] =	dma.local [hbm:s6], s20  }
0x9f: {  	_ =	swait.ge [sflag:s22], s20  }
0xa0: {  	s5 =	ssub.s32 $0x0, s20;
	[sflag:s22] =	ssyncset.done $0x0  }
0xa1: {  	[sflag:s22] =	ssyncadd.s32 s5;
	_ =	sdelay $0x1  }
0xa2: {  	s23 =	simm.s32 $0x1B8B  }
0xa3: {  	_ =	swait.ge [sflag:s23], $0x1  }
0xa4: {  	[sflag:s23] =	ssyncset.done $0x0  }
0xa5: {  	s25 =	simm.s32 $0x1B8E;
	s24 =	sld [smem:$0x3FFE];
	[sflag:s23] =	ssyncadd.s32 $0xFFFFFFFF  }
0xa6: {  	s26 =	simm.s32 $execute0_lowered;
	[smem:$0x3FD2] =	sst s25  }
0xa7: {  	s6 =	sshll.u32 s26, $0x1;
	_ =	strace $0x80000046;
	[dreg:$0x1] =	wrdreg $0xFFFFFFFF  }
0xa8: {  	s28 =	simm.s32 $_size_execute0_lowered;
	s4 =	sadd.s32 s4, s6;
	[dreg:$0x0] =	wrdreg $0x0  }
0xa9: {  	s6 =	sshll.u32 s28, $0x1;
	[dreg:$0x2] =	wrdreg s4  }
0xaa: {  	[dreg:$0x3] =	wrdreg s6  }
0xab: {  	[dreg:$0x4] =	wrdreg $0xC0  }
0xac: {  	_ =	task [dreg:s8], $0x5FFFF  }
0xad: {  	[dreg:$0x1] =	wrdreg $0xFFFFFFFF  }
0xae: {  	[dreg:$0x0] =	wrdreg $0x60  }
0xaf: {  	[dreg:$0x2] =	wrdreg s2  }
0xb0: {  	[dreg:$0x3] =	wrdreg s18  }
0xb1: {  	[dreg:$0x4] =	wrdreg s24  }
0xb2: {  	[dreg:$0x5] =	wrdreg $0x9  }
0xb3: {  	_ =	task.clear_ibuf [dreg:s8], $0x6FFFF;
	_ =	strace $0x90000046  }
0xb4: {  	s29 =	simm.s32 $0x9;
	_ =	strace $0x80000048  }
0xb5: {  	_ =	swait.ge [sflag:s29], $0x1  }
0xb6: {  	[sflag:s29] =	ssyncadd.s32 $0xFFFFFFFF  }
0xb7: {  	_ =	strace $0x90000048  }
0xb8: {  	_ =	sfence  }
0xb9: {  	s30 =	sld [smem:$0x0];
	_ =	sdelay $0x2  }
0xba: {  	s31 =	sshll.u32 s1, $0xD;
	s1 =	sshrl.u32 s1, $0x2  }
0xbb: {  	s3 =	sand.u32 $0x4000, s31;
	s1 =	sadd.s32 s1, s30  }
0xbc: {  	s0 =	sor.u32 s3, s0;
	s1 =	sshll.u32 s1, $0x11  }
0xbd: {  	s0 =	sor.u32 s1, s0  }
0xbe: {  	s0 =	sadd.s32 $0x8F2B, s0  }
0xbf: {  	[sflag:s0] =	ssyncadd.remote.s32 $0x1  }
0xc0: {  	_ =	sfence.sel $0xFFFF  }
0xc1: {  	[dreg:$0x0] =	wrdreg $0xFFFFFFFF;
	(pc) =	sbr.abs _section_cstart, $3  }
0xc2: {  	[dreg:$0x1] =	wrdreg $0xFFFFFFFF  }
0xc3: {  	_ =	task.clear_ibuf [dreg:s8], $0x2FFFF;
	_ =	strace $0x9FFFFFFF  }
0xc4: {  	(tm) =	ssettm $0x7FFFFFFF  }
0xc5: {  	_ =	shalt  }
tec
execute0_lowered:
.L_overlay_start_1:
0x0: {  	(tag) =	ssettag $0x1  }
0x1: {  	s1 =	rddreg [dreg:$0x0]  }
0x2: {  	s0 =	srdreg.scid;
	s2 =	rddreg [dreg:$0x1]  }
0x3: {  	s11 =	stileid.u32;
	s4 =	rddreg [dreg:$0x2]  }
0x4: {  	s12 =	simm.s32 $0xAC80;
	s13 =	simm.s32 $0xCC80;
	s14 =	simm.s32 $0xDC80  }
0x5: {  	s15 =	simm.s32 $0xEC80;
	s30 =	simm.s32 $0x2;
	s8 =	smul.u32 $0x187000, s11  }
0x6: {  	s31 =	simm.s32 $0x3;
	s0 =	sand.u32 $0x1, s0;
	s21 =	smul.u32 $0x30E00, s11  }
0x7: {  	s29 =	simm.s32 $0x11C80;
	s3 =	sshll.u32 s11, $0x1;
	s10 =	smul.u32 $0xC3800, s0  }
0x8: {  	s5 =	sor.u32 s0, s3;
	s7 =	ssub.s32 $0x2, s0;
	s0 =	smul.u32 $0x18700, s0  }
0x9: {  	s28 =	simm.s32 $0x10C80;
	s3 =	simm.s32 $0x0;
	s6 =	smul.u32 $0x190, s5  }
0xa: {  	s11 =	simm.s32 $0x8C80;
	[smem:$0x7FF] =	sst s3;
	s5 =	smul.u32 $0xC3800, s5  }
0xb: {  	s9 =	sshrl.u32 s7, $0x1;
	s23 =	sadd.s32 s21, s4;
	s21 =	simm.s32 $0x9480  }
0xc: {  	_ =	strace $0x80000047;
	s7 =	ssub.s32 s7, s9;
	s18 =	sadd.s32 s10, s8  }
0xd: {  	s0 =	sadd.s32 s0, s23;
	s23 =	simm.s32 $0xB480;
	s8 =	simm.s32 $0xE480  }
0xe: {  	s9 =	simm.s32 $0xF480;
	s10 =	simm.s32 $0x10480;
	s5 =	sshrl.u32 s5, $0x3  }
0xf: {  	s2 =	sadd.s32 s2, s6;
	s20 =	sadd.s32 $0x10000, s18;
	s25 =	smax.u32 s7, $0x1  }
0x10: {  	[dreg:$0x5] =	wrdreg s0;
	s6 =	simm.s32 $0xBC80;
	s7 =	simm.s32 $0xD480  }
0x11: {  	s0 =	simm.s32 $0x0;
	[dreg:$0x7] =	wrdreg s2;
	s16 =	sadd.s32 s4, s5  }
0x12: {  	s22 =	sshrl.u32 s20, $0x3;
	[dreg:$0xc] =	wrdreg s25;
	s5 =	sadd.s32 $0x15000, s16  }
0x13: {  	s20 =	simm.s32 $0x5;
	s17 =	sadd.s32 $0x16000, s16;
	[dreg:$0x8] =	wrdreg s5  }
0x14: {  	s25 =	simm.s32 $0xB480;
	s19 =	sadd.s32 $0x17000, s16;
	[dreg:$0x9] =	wrdreg s17  }
0x15: {  	s2 =	sadd.s32 $0x18000, s16;
	s16 =	simm.s32 $0xFC80;
	[dreg:$0xa] =	wrdreg s19  }
0x16: {  	[dreg:$0xb] =	wrdreg s2;
	s2 =	sadd.s32 s22, s4;
	s5 =	sadd.s32 $0x8000, s18  }
0x17: {  	s17 =	simm.s32 $0xC80;
	s22 =	simm.s32 $0xA480;
	s19 =	simm.s32 $0x4  }
0x18: {  	v2 =	vlaneseq.u32;
	s18 =	simm.s32 $0x12480;
	[dreg:$0x4] =	wrdreg s2;
	s24 =	sshrl.u32 s5, $0x3  }
0x19: {  	vm0 =	vmmov $0xffff;
	v1 =	vshrl.u32 v2, $0x3;
	s5 =	simm.s32 $0x9C80;
	s2 =	simm.s32 $0x1;
	s26 =	sadd.s32 s24, s4  }
0x1a: {  	v0 =	vand.u32 $0x7, v2;
	v2 =	vor.u32 $0x8, v2;
	v1 =	vmul.u32 $0x8, v1;
	s24 =	simm.s32 $0xC480;
	[dreg:$0x6] =	wrdreg s26;
	s26 =	simm.s32 $0xC480  }
.LBB2_1:
0x1b: {  	[dreg:$0xd] =	wrdreg s0  }
0x1c: {  	s4 =	rddreg [dreg:$0x7];
	s0 =	simm.s32 $0x7  }
0x1d: {  	[tilespmem:s3], [sflag:$0x7] =	stream.linear.gather [hbm4b:s4+s3], $0xC80, $0x38;
	[tilespmem:$0x18C80] =	vst v63  }
0x1e: {  	_ =	swait.ge [sflag:s0], $0xC80  }
0x1f: {  	[sflag:s0] =	ssyncset.done $0x0  }
0x20: {  	[sflag:s0] =	ssyncadd.s32 $0xFFFFF380  }
0x21: {  	v3 =	vld [tilespmem:$0x0];
	_ =	sdelay $0x4  }
0x22: {  	v4 =	vshll.u32 v3, $0x1  }
0x23: {  	v3 =	vand.u32 $0x7, v3;
	v4 =	vand.u32 $0xFFFFFFF0, v4  }
0x24: {  	v3 =	vor.u32 v3, v4  }
0x25: {  	v4 =	vperm.xlane v3, v0;
	_ =	sdelay $0x1  }
0x26: {  	v3 =	vperm.xlane v3, v2;
	v4 =	vadd.s32 v1, v4;
	_ =	sdelay $0x1  }
0x27: {  	v3 =	vadd.s32 v1, v3;
	_ =	sdelay $0x2  }
0x28: {  	[tilespmem:s17], [sflag:$0x1] =	stream.indirect_vreg.gather [hbm4b:s1+s3], $0x80, v4, vm0, $0xb8;
	[tilespmem:$0x18C80] =	vst v63  }
0x29: {  	s17 =	simm.s32 $0x1480  }
0x2a: {  	[tilespmem:s17], [sflag:$0x1] =	stream.indirect_vreg.gather [hbm4b:s1+s3], $0x80, v3, vm0, $0xb8;
	[tilespmem:$0x18C80] =	vst v63  }
0x2b: {  	v3 =	vld [tilespmem:$0x10];
	_ =	sdelay $0x4  }
0x2c: {  	v49 =	vshll.u32 v3, $0x1  }
0x2d: {  	v3 =	vand.u32 $0x7, v3;
	v4 =	vand.u32 $0xFFFFFFF0, v49  }
0x2e: {  	v3 =	vor.u32 v3, v4  }
0x2f: {  	v4 =	vperm.xlane v3, v0;
	_ =	sdelay $0x1  }
0x30: {  	v3 =	vperm.xlane v3, v2;
	v4 =	vadd.s32 v1, v4;
	_ =	sdelay $0x1  }
0x31: {  	v3 =	vadd.s32 v1, v3;
	_ =	sdelay $0x1  }
0x32: {  	s0 =	simm.s32 $0x1C80  }
0x33: {  	[tilespmem:s0], [sflag:$0x1] =	stream.indirect_vreg.gather [hbm4b:s1+s3], $0x80, v4, vm0, $0xb8;
	[tilespmem:$0x18C80] =	vst v63  }
0x34: {  	s17 =	simm.s32 $0x2480  }
0x35: {  	[tilespmem:s17], [sflag:$0x1] =	stream.indirect_vreg.gather [hbm4b:s1+s3], $0x80, v3, vm0, $0xb8;
	[tilespmem:$0x18C80] =	vst v63  }
0x36: {  	v3 =	vld [tilespmem:$0x20];
	_ =	sdelay $0x4  }
0x37: {  	v50 =	vshll.u32 v3, $0x1  }
0x38: {  	v3 =	vand.u32 $0x7, v3;
	v4 =	vand.u32 $0xFFFFFFF0, v50  }
0x39: {  	v3 =	vor.u32 v3, v4  }
0x3a: {  	v4 =	vperm.xlane v3, v0;
	_ =	sdelay $0x1  }
0x3b: {  	v3 =	vperm.xlane v3, v2;
	v4 =	vadd.s32 v1, v4;
	_ =	sdelay $0x1  }
0x3c: {  	v3 =	vadd.s32 v1, v3;
	_ =	sdelay $0x1  }
0x3d: {  	s0 =	simm.s32 $0x2C80  }
0x3e: {  	[tilespmem:s0], [sflag:$0x1] =	stream.indirect_vreg.gather [hbm4b:s1+s3], $0x80, v4, vm0, $0xb8;
	[tilespmem:$0x18C80] =	vst v63  }
0x3f: {  	s17 =	simm.s32 $0x3480  }
0x40: {  	[tilespmem:s17], [sflag:$0x1] =	stream.indirect_vreg.gather [hbm4b:s1+s3], $0x80, v3, vm0, $0xb8;
	[tilespmem:$0x18C80] =	vst v63  }
0x41: {  	v3 =	vld [tilespmem:$0x30];
	_ =	sdelay $0x4  }
0x42: {  	v51 =	vshll.u32 v3, $0x1  }
0x43: {  	v3 =	vand.u32 $0x7, v3;
	v4 =	vand.u32 $0xFFFFFFF0, v51  }
0x44: {  	v3 =	vor.u32 v3, v4  }
0x45: {  	v4 =	vperm.xlane v3, v0;
	_ =	sdelay $0x1  }
0x46: {  	v3 =	vperm.xlane v3, v2;
	v4 =	vadd.s32 v1, v4;
	_ =	sdelay $0x1  }
0x47: {  	v3 =	vadd.s32 v1, v3;
	_ =	sdelay $0x1  }
0x48: {  	s0 =	simm.s32 $0x3C80  }
0x49: {  	[tilespmem:s0], [sflag:$0x1] =	stream.indirect_vreg.gather [hbm4b:s1+s3], $0x80, v4, vm0, $0xb8;
	[tilespmem:$0x18C80] =	vst v63  }
0x4a: {  	s17 =	simm.s32 $0x4480  }
0x4b: {  	[tilespmem:s17], [sflag:$0x1] =	stream.indirect_vreg.gather [hbm4b:s1+s3], $0x80, v3, vm0, $0xb8;
	[tilespmem:$0x18C80] =	vst v63  }
0x4c: {  	v3 =	vld [tilespmem:$0x40];
	_ =	sdelay $0x4  }
0x4d: {  	v52 =	vshll.u32 v3, $0x1  }
0x4e: {  	v3 =	vand.u32 $0x7, v3;
	v4 =	vand.u32 $0xFFFFFFF0, v52  }
0x4f: {  	v3 =	vor.u32 v3, v4  }
0x50: {  	v4 =	vperm.xlane v3, v0;
	_ =	sdelay $0x1  }
0x51: {  	v3 =	vperm.xlane v3, v2;
	v4 =	vadd.s32 v1, v4;
	_ =	sdelay $0x1  }
0x52: {  	v3 =	vadd.s32 v1, v3;
	_ =	sdelay $0x1  }
0x53: {  	s0 =	simm.s32 $0x4C80  }
0x54: {  	[tilespmem:s0], [sflag:$0x1] =	stream.indirect_vreg.gather [hbm4b:s1+s3], $0x80, v4, vm0, $0xb8;
	[tilespmem:$0x18C80] =	vst v63  }
0x55: {  	s17 =	simm.s32 $0x5480  }
0x56: {  	[tilespmem:s17], [sflag:$0x1] =	stream.indirect_vreg.gather [hbm4b:s1+s3], $0x80, v3, vm0, $0xb8;
	[tilespmem:$0x18C80] =	vst v63  }
0x57: {  	v3 =	vld [tilespmem:$0x50];
	_ =	sdelay $0x4  }
0x58: {  	v53 =	vshll.u32 v3, $0x1  }
0x59: {  	v3 =	vand.u32 $0x7, v3;
	v4 =	vand.u32 $0xFFFFFFF0, v53  }
0x5a: {  	v3 =	vor.u32 v3, v4  }
0x5b: {  	v4 =	vperm.xlane v3, v0;
	_ =	sdelay $0x1  }
0x5c: {  	v3 =	vperm.xlane v3, v2;
	v4 =	vadd.s32 v1, v4;
	_ =	sdelay $0x1  }
0x5d: {  	v3 =	vadd.s32 v1, v3;
	_ =	sdelay $0x1  }
0x5e: {  	s0 =	simm.s32 $0x5C80  }
0x5f: {  	[tilespmem:s0], [sflag:$0x1] =	stream.indirect_vreg.gather [hbm4b:s1+s3], $0x80, v4, vm0, $0xb8;
	[tilespmem:$0x18C80] =	vst v63  }
0x60: {  	s17 =	simm.s32 $0x6480  }
0x61: {  	[tilespmem:s17], [sflag:$0x1] =	stream.indirect_vreg.gather [hbm4b:s1+s3], $0x80, v3, vm0, $0xb8;
	[tilespmem:$0x18C80] =	vst v63  }
0x62: {  	v3 =	vld [tilespmem:$0x60];
	_ =	sdelay $0x4  }
0x63: {  	v54 =	vshll.u32 v3, $0x1  }
0x64: {  	v3 =	vand.u32 $0x7, v3;
	v4 =	vand.u32 $0xFFFFFFF0, v54  }
0x65: {  	v3 =	vor.u32 v3, v4  }
0x66: {  	v4 =	vperm.xlane v3, v0;
	_ =	sdelay $0x1  }
0x67: {  	v3 =	vperm.xlane v3, v2;
	v4 =	vadd.s32 v1, v4;
	_ =	sdelay $0x1  }
0x68: {  	v3 =	vadd.s32 v1, v3;
	_ =	sdelay $0x1  }
0x69: {  	s0 =	simm.s32 $0x6C80  }
0x6a: {  	[tilespmem:s0], [sflag:$0x1] =	stream.indirect_vreg.gather [hbm4b:s1+s3], $0x80, v4, vm0, $0xb8;
	[tilespmem:$0x18C80] =	vst v63  }
0x6b: {  	s17 =	simm.s32 $0x7480  }
0x6c: {  	[tilespmem:s17], [sflag:$0x1] =	stream.indirect_vreg.gather [hbm4b:s1+s3], $0x80, v3, vm0, $0xb8;
	[tilespmem:$0x18C80] =	vst v63  }
0x6d: {  	v3 =	vld [tilespmem:$0x70];
	_ =	sdelay $0x4  }
0x6e: {  	v55 =	vshll.u32 v3, $0x1  }
0x6f: {  	v3 =	vand.u32 $0x7, v3;
	v4 =	vand.u32 $0xFFFFFFF0, v55  }
0x70: {  	v3 =	vor.u32 v3, v4  }
0x71: {  	v4 =	vperm.xlane v3, v0;
	_ =	sdelay $0x1  }
0x72: {  	v3 =	vperm.xlane v3, v2;
	v4 =	vadd.s32 v1, v4;
	_ =	sdelay $0x1  }
0x73: {  	v3 =	vadd.s32 v1, v3;
	_ =	sdelay $0x1  }
0x74: {  	s0 =	simm.s32 $0x7C80  }
0x75: {  	[tilespmem:s0], [sflag:$0x1] =	stream.indirect_vreg.gather [hbm4b:s1+s3], $0x80, v4, vm0, $0xb8;
	[tilespmem:$0x18C80] =	vst v63  }
0x76: {  	s17 =	simm.s32 $0x8480  }
0x77: {  	[tilespmem:s17], [sflag:$0x1] =	stream.indirect_vreg.gather [hbm4b:s1+s3], $0x80, v3, vm0, $0xb8;
	[tilespmem:$0x18C80] =	vst v63  }
0x78: {  	v3 =	vld [tilespmem:$0x80];
	_ =	sdelay $0x4  }
0x79: {  	v56 =	vshll.u32 v3, $0x1  }
0x7a: {  	v3 =	vand.u32 $0x7, v3;
	v4 =	vand.u32 $0xFFFFFFF0, v56  }
0x7b: {  	v3 =	vor.u32 v3, v4  }
0x7c: {  	v4 =	vperm.xlane v3, v0;
	_ =	sdelay $0x1  }
0x7d: {  	v3 =	vperm.xlane v3, v2;
	v4 =	vadd.s32 v1, v4;
	_ =	sdelay $0x1  }
0x7e: {  	v3 =	vadd.s32 v1, v3;
	_ =	sdelay $0x2  }
0x7f: {  	[tilespmem:s11], [sflag:$0x2] =	stream.indirect_vreg.gather [hbm4b:s1+s3], $0x80, v4, vm0, $0xb8;
	[tilespmem:$0x18C80] =	vst v63  }
0x80: {  	_ = 	snop  }
0x81: {  	[tilespmem:s21], [sflag:$0x2] =	stream.indirect_vreg.gather [hbm4b:s1+s3], $0x80, v3, vm0, $0xb8;
	[tilespmem:$0x18C80] =	vst v63  }
0x82: {  	v3 =	vld [tilespmem:$0x90];
	_ =	sdelay $0x4  }
0x83: {  	v57 =	vshll.u32 v3, $0x1  }
0x84: {  	v3 =	vand.u32 $0x7, v3;
	v4 =	vand.u32 $0xFFFFFFF0, v57  }
0x85: {  	v3 =	vor.u32 v3, v4  }
0x86: {  	v4 =	vperm.xlane v3, v0;
	_ =	sdelay $0x1  }
0x87: {  	v3 =	vperm.xlane v3, v2;
	v4 =	vadd.s32 v1, v4;
	_ =	sdelay $0x1  }
0x88: {  	v3 =	vadd.s32 v1, v3;
	_ =	sdelay $0x2  }
0x89: {  	[tilespmem:s5], [sflag:$0x2] =	stream.indirect_vreg.gather [hbm4b:s1+s3], $0x80, v4, vm0, $0xb8;
	[tilespmem:$0x18C80] =	vst v63  }
0x8a: {  	_ = 	snop  }
0x8b: {  	[tilespmem:s22], [sflag:$0x2] =	stream.indirect_vreg.gather [hbm4b:s1+s3], $0x80, v3, vm0, $0xb8;
	[tilespmem:$0x18C80] =	vst v63  }
0x8c: {  	v3 =	vld [tilespmem:$0xA0];
	_ =	sdelay $0x4  }
0x8d: {  	v58 =	vshll.u32 v3, $0x1  }
0x8e: {  	v3 =	vand.u32 $0x7, v3;
	v4 =	vand.u32 $0xFFFFFFF0, v58  }
0x8f: {  	v3 =	vor.u32 v3, v4  }
0x90: {  	v4 =	vperm.xlane v3, v0;
	_ =	sdelay $0x1  }
0x91: {  	v3 =	vperm.xlane v3, v2;
	v4 =	vadd.s32 v1, v4;
	_ =	sdelay $0x1  }
0x92: {  	v3 =	vadd.s32 v1, v3;
	_ =	sdelay $0x2  }
0x93: {  	[tilespmem:s12], [sflag:$0x2] =	stream.indirect_vreg.gather [hbm4b:s1+s3], $0x80, v4, vm0, $0xb8;
	[tilespmem:$0x18C80] =	vst v63  }
0x94: {  	_ = 	snop  }
0x95: {  	[tilespmem:s23], [sflag:$0x2] =	stream.indirect_vreg.gather [hbm4b:s1+s3], $0x80, v3, vm0, $0xb8;
	[tilespmem:$0x18C80] =	vst v63  }
0x96: {  	v3 =	vld [tilespmem:$0xB0];
	_ =	sdelay $0x4  }
0x97: {  	v59 =	vshll.u32 v3, $0x1  }
0x98: {  	v3 =	vand.u32 $0x7, v3;
	v4 =	vand.u32 $0xFFFFFFF0, v59  }
0x99: {  	v3 =	vor.u32 v3, v4  }
0x9a: {  	v4 =	vperm.xlane v3, v0;
	_ =	sdelay $0x1  }
0x9b: {  	v3 =	vperm.xlane v3, v2;
	v4 =	vadd.s32 v1, v4;
	_ =	sdelay $0x1  }
0x9c: {  	v3 =	vadd.s32 v1, v3;
	_ =	sdelay $0x2  }
0x9d: {  	[tilespmem:s6], [sflag:$0x2] =	stream.indirect_vreg.gather [hbm4b:s1+s3], $0x80, v4, vm0, $0xb8;
	[tilespmem:$0x18C80] =	vst v63  }
0x9e: {  	_ = 	snop  }
0x9f: {  	[tilespmem:s24], [sflag:$0x2] =	stream.indirect_vreg.gather [hbm4b:s1+s3], $0x80, v3, vm0, $0xb8;
	[tilespmem:$0x18C80] =	vst v63  }
0xa0: {  	v3 =	vld [tilespmem:$0xC0];
	_ =	sdelay $0x4  }
0xa1: {  	v60 =	vshll.u32 v3, $0x1  }
0xa2: {  	v3 =	vand.u32 $0x7, v3;
	v4 =	vand.u32 $0xFFFFFFF0, v60  }
0xa3: {  	v3 =	vor.u32 v3, v4  }
0xa4: {  	v4 =	vperm.xlane v3, v0;
	_ =	sdelay $0x1  }
0xa5: {  	v3 =	vperm.xlane v3, v2;
	v4 =	vadd.s32 v1, v4;
	_ =	sdelay $0x1  }
0xa6: {  	v3 =	vadd.s32 v1, v3;
	_ =	sdelay $0x2  }
0xa7: {  	[tilespmem:s13], [sflag:$0x2] =	stream.indirect_vreg.gather [hbm4b:s1+s3], $0x80, v4, vm0, $0xb8;
	[tilespmem:$0x18C80] =	vst v63  }
0xa8: {  	_ = 	snop  }
0xa9: {  	[tilespmem:s7], [sflag:$0x2] =	stream.indirect_vreg.gather [hbm4b:s1+s3], $0x80, v3, vm0, $0xb8;
	[tilespmem:$0x18C80] =	vst v63  }
0xaa: {  	v3 =	vld [tilespmem:$0xD0];
	_ =	sdelay $0x4  }
0xab: {  	v61 =	vshll.u32 v3, $0x1  }
0xac: {  	v3 =	vand.u32 $0x7, v3;
	v4 =	vand.u32 $0xFFFFFFF0, v61  }
0xad: {  	v3 =	vor.u32 v3, v4  }
0xae: {  	v4 =	vperm.xlane v3, v0;
	_ =	sdelay $0x1  }
0xaf: {  	v3 =	vperm.xlane v3, v2;
	v4 =	vadd.s32 v1, v4;
	_ =	sdelay $0x1  }
0xb0: {  	v3 =	vadd.s32 v1, v3;
	_ =	sdelay $0x2  }
0xb1: {  	[tilespmem:s14], [sflag:$0x2] =	stream.indirect_vreg.gather [hbm4b:s1+s3], $0x80, v4, vm0, $0xb8;
	[tilespmem:$0x18C80] =	vst v63  }
0xb2: {  	_ = 	snop  }
0xb3: {  	[tilespmem:s8], [sflag:$0x2] =	stream.indirect_vreg.gather [hbm4b:s1+s3], $0x80, v3, vm0, $0xb8;
	[tilespmem:$0x18C80] =	vst v63  }
0xb4: {  	v3 =	vld [tilespmem:$0xE0];
	_ =	sdelay $0x4  }
0xb5: {  	v62 =	vshll.u32 v3, $0x1  }
0xb6: {  	v3 =	vand.u32 $0x7, v3;
	v4 =	vand.u32 $0xFFFFFFF0, v62  }
0xb7: {  	v3 =	vor.u32 v3, v4  }
0xb8: {  	v4 =	vperm.xlane v3, v0;
	_ =	sdelay $0x1  }
0xb9: {  	v3 =	vperm.xlane v3, v2;
	v4 =	vadd.s32 v1, v4;
	_ =	sdelay $0x1  }
0xba: {  	v3 =	vadd.s32 v1, v3;
	_ =	sdelay $0x2  }
0xbb: {  	[tilespmem:s15], [sflag:$0x2] =	stream.indirect_vreg.gather [hbm4b:s1+s3], $0x80, v4, vm0, $0xb8;
	[tilespmem:$0x18C80] =	vst v63  }
0xbc: {  	_ = 	snop  }
0xbd: {  	[tilespmem:s9], [sflag:$0x2] =	stream.indirect_vreg.gather [hbm4b:s1+s3], $0x80, v3, vm0, $0xb8;
	[tilespmem:$0x18C80] =	vst v63  }
0xbe: {  	v3 =	vld [tilespmem:$0xF0];
	_ =	sdelay $0x4  }
0xbf: {  	v63 =	vshll.u32 v3, $0x1  }
0xc0: {  	v3 =	vand.u32 $0x7, v3;
	v4 =	vand.u32 $0xFFFFFFF0, v63  }
0xc1: {  	v3 =	vor.u32 v3, v4  }
0xc2: {  	v4 =	vperm.xlane v3, v0;
	_ =	sdelay $0x1  }
0xc3: {  	v3 =	vperm.xlane v3, v2;
	v4 =	vadd.s32 v1, v4  }
0xc4: {  	s17 =	simm.s32 $0x11480  }
0xc5: {  	s21 =	simm.s32 $0x140;
	s5 =	simm.s32 $0x9C80;
	s22 =	simm.s32 $0x0;
	v3 =	vadd.s32 v1, v3  }
0xc6: {  	s12 =	simm.s32 $0xAC80;
	s23 =	simm.s32 $0x9480;
	s6 =	simm.s32 $0xBC80  }
0xc7: {  	s24 =	simm.s32 $0xA480;
	s13 =	simm.s32 $0xCC80;
	s7 =	simm.s32 $0xD480  }
0xc8: {  	[tilespmem:s16], [sflag:$0x2] =	stream.indirect_vreg.gather [hbm4b:s1+s3], $0x80, v4, vm0, $0xb8;
	[tilespmem:$0x18C80] =	vst v63  }
0xc9: {  	s14 =	simm.s32 $0xDC80;
	s8 =	simm.s32 $0xE480;
	s15 =	simm.s32 $0xEC80  }
0xca: {  	[tilespmem:s10], [sflag:$0x2] =	stream.indirect_vreg.gather [hbm4b:s1+s3], $0x80, v3, vm0, $0xb8;
	[tilespmem:$0x18C80] =	vst v63  }
0xcb: {  	s9 =	simm.s32 $0xF480;
	s16 =	simm.s32 $0xFC80;
	s10 =	simm.s32 $0x10480  }
.LBB2_2:
0xcc: {  	_ =	swait.ge [sflag:s2], $0x8000  }
0xcd: {  	s11 =	simm.s32 $0xC80;
	s4 =	rddreg [dreg:$0x5];
	[sflag:s2] =	ssyncset.done $0x0  }
0xce: {  	p0 =	seq.s32 s22, $0x0;
	[sflag:s2] =	ssyncadd.s32 $0xFFFF8000;
	s4 =	sadd.s32 s22, s4  }
0xcf: {  	[hbm4b:s4+s3] =	stream.linear.scatter [tilespmem:s11], [sflag:$0x4], $0x8000, $0x38;
	[tilespmem:$0x18C80] =	vst v63  }
0xd0: {  	s4 =	simm.s32 @!p0 $0x6  }
0xd1: {  	_ =	swait.ge @!p0 [sflag:s4], $0x8000  }
0xd2: {  	[sflag:s4] =	ssyncset.done @!p0 $0x0  }
0xd3: {  	[sflag:s4] =	ssyncadd.s32 @!p0 $0xFFFF8000  }
0xd4: {  	v3 =	vld [tilespmem:s21+$0xFFFFFFC0];
	_ =	sdelay $0x4  }
0xd5: {  	v4 =	vshll.u32 v3, $0x1  }
0xd6: {  	v3 =	vand.u32 $0x7, v3;
	v4 =	vand.u32 $0xFFFFFFF0, v4  }
0xd7: {  	v3 =	vor.u32 v3, v4  }
0xd8: {  	v4 =	vperm.xlane v3, v0;
	_ =	sdelay $0x1  }
0xd9: {  	v3 =	vperm.xlane v3, v2;
	v4 =	vadd.s32 v1, v4;
	_ =	sdelay $0x1  }
0xda: {  	v3 =	vadd.s32 v1, v3;
	_ =	sdelay $0x2  }
0xdb: {  	[tilespmem:s28], [sflag:$0x3] =	stream.indirect_vreg.gather [hbm4b:s1+s3], $0x80, v4, vm0, $0xb8;
	[tilespmem:$0x18C80] =	vst v63  }
0xdc: {  	_ = 	snop  }
0xdd: {  	[tilespmem:s17], [sflag:$0x3] =	stream.indirect_vreg.gather [hbm4b:s1+s3], $0x80, v3, vm0, $0xb8;
	[tilespmem:$0x18C80] =	vst v63  }
0xde: {  	v3 =	vld [tilespmem:s21+$0xFFFFFFD0];
	_ =	sdelay $0x4  }
0xdf: {  	v41 =	vshll.u32 v3, $0x1  }
0xe0: {  	v3 =	vand.u32 $0x7, v3;
	v4 =	vand.u32 $0xFFFFFFF0, v41  }
0xe1: {  	v3 =	vor.u32 v3, v4  }
0xe2: {  	v4 =	vperm.xlane v3, v0;
	_ =	sdelay $0x1  }
0xe3: {  	v3 =	vperm.xlane v3, v2;
	v4 =	vadd.s32 v1, v4;
	_ =	sdelay $0x1  }
0xe4: {  	v3 =	vadd.s32 v1, v3;
	_ =	sdelay $0x2  }
0xe5: {  	[tilespmem:s29], [sflag:$0x3] =	stream.indirect_vreg.gather [hbm4b:s1+s3], $0x80, v4, vm0, $0xb8;
	[tilespmem:$0x18C80] =	vst v63  }
0xe6: {  	_ = 	snop  }
0xe7: {  	[tilespmem:s18], [sflag:$0x3] =	stream.indirect_vreg.gather [hbm4b:s1+s3], $0x80, v3, vm0, $0xb8;
	[tilespmem:$0x18C80] =	vst v63  }
0xe8: {  	v3 =	vld [tilespmem:s21+$0xFFFFFFE0];
	_ =	sdelay $0x4  }
0xe9: {  	v42 =	vshll.u32 v3, $0x1  }
0xea: {  	v3 =	vand.u32 $0x7, v3;
	v4 =	vand.u32 $0xFFFFFFF0, v42  }
0xeb: {  	v3 =	vor.u32 v3, v4  }
0xec: {  	v4 =	vperm.xlane v3, v0;
	_ =	sdelay $0x1  }
0xed: {  	v3 =	vperm.xlane v3, v2;
	v4 =	vadd.s32 v1, v4;
	_ =	sdelay $0x1  }
0xee: {  	v3 =	vadd.s32 v1, v3;
	_ =	sdelay $0x1  }
0xef: {  	s0 =	simm.s32 $0x12C80  }
0xf0: {  	[tilespmem:s0], [sflag:$0x3] =	stream.indirect_vreg.gather [hbm4b:s1+s3], $0x80, v4, vm0, $0xb8;
	[tilespmem:$0x18C80] =	vst v63  }
0xf1: {  	s4 =	simm.s32 $0x13480  }
0xf2: {  	[tilespmem:s4], [sflag:$0x3] =	stream.indirect_vreg.gather [hbm4b:s1+s3], $0x80, v3, vm0, $0xb8;
	[tilespmem:$0x18C80] =	vst v63  }
0xf3: {  	v3 =	vld [tilespmem:s21+$0xFFFFFFF0];
	_ =	sdelay $0x4  }
0xf4: {  	v43 =	vshll.u32 v3, $0x1  }
0xf5: {  	v3 =	vand.u32 $0x7, v3;
	v4 =	vand.u32 $0xFFFFFFF0, v43  }
0xf6: {  	v3 =	vor.u32 v3, v4  }
0xf7: {  	v4 =	vperm.xlane v3, v0;
	_ =	sdelay $0x1  }
0xf8: {  	v3 =	vperm.xlane v3, v2;
	v4 =	vadd.s32 v1, v4;
	_ =	sdelay $0x1  }
0xf9: {  	v3 =	vadd.s32 v1, v3;
	_ =	sdelay $0x1  }
0xfa: {  	s4 =	simm.s32 $0x13C80  }
0xfb: {  	[tilespmem:s4], [sflag:$0x3] =	stream.indirect_vreg.gather [hbm4b:s1+s3], $0x80, v4, vm0, $0xb8;
	[tilespmem:$0x18C80] =	vst v63  }
0xfc: {  	s4 =	simm.s32 $0x14480  }
0xfd: {  	[tilespmem:s4], [sflag:$0x3] =	stream.indirect_vreg.gather [hbm4b:s1+s3], $0x80, v3, vm0, $0xb8;
	[tilespmem:$0x18C80] =	vst v63  }
0xfe: {  	v3 =	vld [tilespmem:s21+$0x0];
	_ =	sdelay $0x4  }
0xff: {  	v44 =	vshll.u32 v3, $0x1  }
0x100: {  	v3 =	vand.u32 $0x7, v3;
	v4 =	vand.u32 $0xFFFFFFF0, v44  }
0x101: {  	v3 =	vor.u32 v3, v4  }
0x102: {  	v4 =	vperm.xlane v3, v0;
	_ =	sdelay $0x1  }
0x103: {  	v3 =	vperm.xlane v3, v2;
	v4 =	vadd.s32 v1, v4;
	_ =	sdelay $0x1  }
0x104: {  	v3 =	vadd.s32 v1, v3;
	_ =	sdelay $0x1  }
0x105: {  	s4 =	simm.s32 $0x14C80  }
0x106: {  	[tilespmem:s4], [sflag:$0x3] =	stream.indirect_vreg.gather [hbm4b:s1+s3], $0x80, v4, vm0, $0xb8;
	[tilespmem:$0x18C80] =	vst v63  }
0x107: {  	s4 =	simm.s32 $0x15480  }
0x108: {  	[tilespmem:s4], [sflag:$0x3] =	stream.indirect_vreg.gather [hbm4b:s1+s3], $0x80, v3, vm0, $0xb8;
	[tilespmem:$0x18C80] =	vst v63  }
0x109: {  	v3 =	vld [tilespmem:s21+$0x10];
	_ =	sdelay $0x4  }
0x10a: {  	v45 =	vshll.u32 v3, $0x1  }
0x10b: {  	v3 =	vand.u32 $0x7, v3;
	v4 =	vand.u32 $0xFFFFFFF0, v45  }
0x10c: {  	v3 =	vor.u32 v3, v4  }
0x10d: {  	v4 =	vperm.xlane v3, v0;
	_ =	sdelay $0x1  }
0x10e: {  	v3 =	vperm.xlane v3, v2;
	v4 =	vadd.s32 v1, v4;
	_ =	sdelay $0x1  }
0x10f: {  	v3 =	vadd.s32 v1, v3;
	_ =	sdelay $0x1  }
0x110: {  	s4 =	simm.s32 $0x15C80  }
0x111: {  	[tilespmem:s4], [sflag:$0x3] =	stream.indirect_vreg.gather [hbm4b:s1+s3], $0x80, v4, vm0, $0xb8;
	[tilespmem:$0x18C80] =	vst v63  }
0x112: {  	s4 =	simm.s32 $0x16480  }
0x113: {  	[tilespmem:s4], [sflag:$0x3] =	stream.indirect_vreg.gather [hbm4b:s1+s3], $0x80, v3, vm0, $0xb8;
	[tilespmem:$0x18C80] =	vst v63  }
0x114: {  	v3 =	vld [tilespmem:s21+$0x20];
	_ =	sdelay $0x4  }
0x115: {  	v46 =	vshll.u32 v3, $0x1  }
0x116: {  	v3 =	vand.u32 $0x7, v3;
	v4 =	vand.u32 $0xFFFFFFF0, v46  }
0x117: {  	v3 =	vor.u32 v3, v4  }
0x118: {  	v4 =	vperm.xlane v3, v0;
	_ =	sdelay $0x1  }
0x119: {  	v3 =	vperm.xlane v3, v2;
	v4 =	vadd.s32 v1, v4;
	_ =	sdelay $0x1  }
0x11a: {  	v3 =	vadd.s32 v1, v3;
	_ =	sdelay $0x1  }
0x11b: {  	s4 =	simm.s32 $0x16C80  }
0x11c: {  	[tilespmem:s4], [sflag:$0x3] =	stream.indirect_vreg.gather [hbm4b:s1+s3], $0x80, v4, vm0, $0xb8;
	[tilespmem:$0x18C80] =	vst v63  }
0x11d: {  	s4 =	simm.s32 $0x17480  }
0x11e: {  	[tilespmem:s4], [sflag:$0x3] =	stream.indirect_vreg.gather [hbm4b:s1+s3], $0x80, v3, vm0, $0xb8;
	[tilespmem:$0x18C80] =	vst v63  }
0x11f: {  	v3 =	vld [tilespmem:s21+$0x30];
	_ =	sdelay $0x4  }
0x120: {  	v47 =	vshll.u32 v3, $0x1  }
0x121: {  	v3 =	vand.u32 $0x7, v3;
	v4 =	vand.u32 $0xFFFFFFF0, v47  }
0x122: {  	v3 =	vor.u32 v3, v4  }
0x123: {  	v4 =	vperm.xlane v3, v0;
	_ =	sdelay $0x1  }
0x124: {  	v3 =	vperm.xlane v3, v2;
	v4 =	vadd.s32 v1, v4;
	_ =	sdelay $0x1  }
0x125: {  	v3 =	vadd.s32 v1, v3;
	_ =	sdelay $0x1  }
0x126: {  	s4 =	simm.s32 $0x17C80  }
0x127: {  	[tilespmem:s4], [sflag:$0x3] =	stream.indirect_vreg.gather [hbm4b:s1+s3], $0x80, v4, vm0, $0xb8;
	[tilespmem:$0x18C80] =	vst v63  }
0x128: {  	s4 =	simm.s32 $0x18480  }
0x129: {  	[tilespmem:s4], [sflag:$0x3] =	stream.indirect_vreg.gather [hbm4b:s1+s3], $0x80, v3, vm0, $0xb8;
	[tilespmem:$0x18C80] =	vst v63  }
0x12a: {  	_ =	swait.ge [sflag:s30], $0x8000  }
0x12b: {  	s0 =	rddreg [dreg:$0x6];
	[sflag:s30] =	ssyncset.done $0x0  }
0x12c: {  	[sflag:s30] =	ssyncadd.s32 $0xFFFF8000;
	s4 =	sadd.s32 s22, s0;
	s0 =	simm.s32 $0x8C80  }
0x12d: {  	[hbm4b:s4+s3] =	stream.linear.scatter [tilespmem:s0], [sflag:$0x5], $0x8000, $0x38;
	[tilespmem:$0x18C80] =	vst v63  }
0x12e: {  	_ =	swait.ge [sflag:s19], $0x8000  }
0x12f: {  	[sflag:s19] =	ssyncset.done $0x0  }
0x130: {  	[sflag:s19] =	ssyncadd.s32 $0xFFFF8000  }
0x131: {  	v3 =	vld [tilespmem:s21+$0x40];
	_ =	sdelay $0x4  }
0x132: {  	v48 =	vshll.u32 v3, $0x1  }
0x133: {  	v3 =	vand.u32 $0x7, v3;
	v4 =	vand.u32 $0xFFFFFFF0, v48  }
0x134: {  	v3 =	vor.u32 v3, v4  }
0x135: {  	v4 =	vperm.xlane v3, v0;
	_ =	sdelay $0x1  }
0x136: {  	v3 =	vperm.xlane v3, v2;
	v4 =	vadd.s32 v1, v4;
	_ =	sdelay $0x1  }
0x137: {  	v3 =	vadd.s32 v1, v3;
	_ =	sdelay $0x2  }
0x138: {  	[tilespmem:s11], [sflag:$0x1] =	stream.indirect_vreg.gather [hbm4b:s1+s3], $0x80, v4, vm0, $0xb8;
	[tilespmem:$0x18C80] =	vst v63  }
0x139: {  	s11 =	simm.s32 $0x1480  }
0x13a: {  	[tilespmem:s11], [sflag:$0x1] =	stream.indirect_vreg.gather [hbm4b:s1+s3], $0x80, v3, vm0, $0xb8;
	[tilespmem:$0x18C80] =	vst v63  }
0x13b: {  	v3 =	vld [tilespmem:s21+$0x50];
	_ =	sdelay $0x4  }
0x13c: {  	v49 =	vshll.u32 v3, $0x1  }
0x13d: {  	v3 =	vand.u32 $0x7, v3;
	v4 =	vand.u32 $0xFFFFFFF0, v49  }
0x13e: {  	v3 =	vor.u32 v3, v4  }
0x13f: {  	v4 =	vperm.xlane v3, v0;
	_ =	sdelay $0x1  }
0x140: {  	v3 =	vperm.xlane v3, v2;
	v4 =	vadd.s32 v1, v4;
	_ =	sdelay $0x1  }
0x141: {  	v3 =	vadd.s32 v1, v3;
	_ =	sdelay $0x1  }
0x142: {  	s11 =	simm.s32 $0x1C80  }
0x143: {  	[tilespmem:s11], [sflag:$0x1] =	stream.indirect_vreg.gather [hbm4b:s1+s3], $0x80, v4, vm0, $0xb8;
	[tilespmem:$0x18C80] =	vst v63  }
0x144: {  	s11 =	simm.s32 $0x2480  }
0x145: {  	[tilespmem:s11], [sflag:$0x1] =	stream.indirect_vreg.gather [hbm4b:s1+s3], $0x80, v3, vm0, $0xb8;
	[tilespmem:$0x18C80] =	vst v63  }
0x146: {  	v3 =	vld [tilespmem:s21+$0x60];
	_ =	sdelay $0x4  }
0x147: {  	v50 =	vshll.u32 v3, $0x1  }
0x148: {  	v3 =	vand.u32 $0x7, v3;
	v4 =	vand.u32 $0xFFFFFFF0, v50  }
0x149: {  	v3 =	vor.u32 v3, v4  }
0x14a: {  	v4 =	vperm.xlane v3, v0;
	_ =	sdelay $0x1  }
0x14b: {  	v3 =	vperm.xlane v3, v2;
	v4 =	vadd.s32 v1, v4;
	_ =	sdelay $0x1  }
0x14c: {  	v3 =	vadd.s32 v1, v3;
	_ =	sdelay $0x1  }
0x14d: {  	s11 =	simm.s32 $0x2C80  }
0x14e: {  	[tilespmem:s11], [sflag:$0x1] =	stream.indirect_vreg.gather [hbm4b:s1+s3], $0x80, v4, vm0, $0xb8;
	[tilespmem:$0x18C80] =	vst v63  }
0x14f: {  	s11 =	simm.s32 $0x3480  }
0x150: {  	[tilespmem:s11], [sflag:$0x1] =	stream.indirect_vreg.gather [hbm4b:s1+s3], $0x80, v3, vm0, $0xb8;
	[tilespmem:$0x18C80] =	vst v63  }
0x151: {  	v3 =	vld [tilespmem:s21+$0x70];
	_ =	sdelay $0x4  }
0x152: {  	v51 =	vshll.u32 v3, $0x1  }
0x153: {  	v3 =	vand.u32 $0x7, v3;
	v4 =	vand.u32 $0xFFFFFFF0, v51  }
0x154: {  	v3 =	vor.u32 v3, v4  }
0x155: {  	v4 =	vperm.xlane v3, v0;
	_ =	sdelay $0x1  }
0x156: {  	v3 =	vperm.xlane v3, v2;
	v4 =	vadd.s32 v1, v4;
	_ =	sdelay $0x1  }
0x157: {  	v3 =	vadd.s32 v1, v3;
	_ =	sdelay $0x1  }
0x158: {  	s11 =	simm.s32 $0x3C80  }
0x159: {  	[tilespmem:s11], [sflag:$0x1] =	stream.indirect_vreg.gather [hbm4b:s1+s3], $0x80, v4, vm0, $0xb8;
	[tilespmem:$0x18C80] =	vst v63  }
0x15a: {  	s11 =	simm.s32 $0x4480  }
0x15b: {  	[tilespmem:s11], [sflag:$0x1] =	stream.indirect_vreg.gather [hbm4b:s1+s3], $0x80, v3, vm0, $0xb8;
	[tilespmem:$0x18C80] =	vst v63  }
0x15c: {  	v3 =	vld [tilespmem:s21+$0x80];
	_ =	sdelay $0x4  }
0x15d: {  	v52 =	vshll.u32 v3, $0x1  }
0x15e: {  	v3 =	vand.u32 $0x7, v3;
	v4 =	vand.u32 $0xFFFFFFF0, v52  }
0x15f: {  	v3 =	vor.u32 v3, v4  }
0x160: {  	v4 =	vperm.xlane v3, v0;
	_ =	sdelay $0x1  }
0x161: {  	v3 =	vperm.xlane v3, v2;
	v4 =	vadd.s32 v1, v4;
	_ =	sdelay $0x1  }
0x162: {  	v3 =	vadd.s32 v1, v3;
	_ =	sdelay $0x1  }
0x163: {  	s11 =	simm.s32 $0x4C80  }
0x164: {  	[tilespmem:s11], [sflag:$0x1] =	stream.indirect_vreg.gather [hbm4b:s1+s3], $0x80, v4, vm0, $0xb8;
	[tilespmem:$0x18C80] =	vst v63  }
0x165: {  	s11 =	simm.s32 $0x5480  }
0x166: {  	[tilespmem:s11], [sflag:$0x1] =	stream.indirect_vreg.gather [hbm4b:s1+s3], $0x80, v3, vm0, $0xb8;
	[tilespmem:$0x18C80] =	vst v63  }
0x167: {  	v3 =	vld [tilespmem:s21+$0x90];
	_ =	sdelay $0x4  }
0x168: {  	v53 =	vshll.u32 v3, $0x1  }
0x169: {  	v3 =	vand.u32 $0x7, v3;
	v4 =	vand.u32 $0xFFFFFFF0, v53  }
0x16a: {  	v3 =	vor.u32 v3, v4  }
0x16b: {  	v4 =	vperm.xlane v3, v0;
	_ =	sdelay $0x1  }
0x16c: {  	v3 =	vperm.xlane v3, v2;
	v4 =	vadd.s32 v1, v4;
	_ =	sdelay $0x1  }
0x16d: {  	v3 =	vadd.s32 v1, v3;
	_ =	sdelay $0x1  }
0x16e: {  	s11 =	simm.s32 $0x5C80  }
0x16f: {  	[tilespmem:s11], [sflag:$0x1] =	stream.indirect_vreg.gather [hbm4b:s1+s3], $0x80, v4, vm0, $0xb8;
	[tilespmem:$0x18C80] =	vst v63  }
0x170: {  	s11 =	simm.s32 $0x6480  }
0x171: {  	[tilespmem:s11], [sflag:$0x1] =	stream.indirect_vreg.gather [hbm4b:s1+s3], $0x80, v3, vm0, $0xb8;
	[tilespmem:$0x18C80] =	vst v63  }
0x172: {  	v3 =	vld [tilespmem:s21+$0xA0];
	_ =	sdelay $0x4  }
0x173: {  	v54 =	vshll.u32 v3, $0x1  }
0x174: {  	v3 =	vand.u32 $0x7, v3;
	v4 =	vand.u32 $0xFFFFFFF0, v54  }
0x175: {  	v3 =	vor.u32 v3, v4  }
0x176: {  	v4 =	vperm.xlane v3, v0;
	_ =	sdelay $0x1  }
0x177: {  	v3 =	vperm.xlane v3, v2;
	v4 =	vadd.s32 v1, v4;
	_ =	sdelay $0x1  }
0x178: {  	v3 =	vadd.s32 v1, v3;
	_ =	sdelay $0x1  }
0x179: {  	s11 =	simm.s32 $0x6C80  }
0x17a: {  	[tilespmem:s11], [sflag:$0x1] =	stream.indirect_vreg.gather [hbm4b:s1+s3], $0x80, v4, vm0, $0xb8;
	[tilespmem:$0x18C80] =	vst v63  }
0x17b: {  	s11 =	simm.s32 $0x7480  }
0x17c: {  	[tilespmem:s11], [sflag:$0x1] =	stream.indirect_vreg.gather [hbm4b:s1+s3], $0x80, v3, vm0, $0xb8;
	[tilespmem:$0x18C80] =	vst v63  }
0x17d: {  	v3 =	vld [tilespmem:s21+$0xB0];
	_ =	sdelay $0x4  }
0x17e: {  	v55 =	vshll.u32 v3, $0x1  }
0x17f: {  	v3 =	vand.u32 $0x7, v3;
	v4 =	vand.u32 $0xFFFFFFF0, v55  }
0x180: {  	v3 =	vor.u32 v3, v4  }
0x181: {  	v4 =	vperm.xlane v3, v0;
	_ =	sdelay $0x1  }
0x182: {  	v3 =	vperm.xlane v3, v2;
	v4 =	vadd.s32 v1, v4;
	_ =	sdelay $0x1  }
0x183: {  	v3 =	vadd.s32 v1, v3;
	_ =	sdelay $0x1  }
0x184: {  	s11 =	simm.s32 $0x7C80  }
0x185: {  	[tilespmem:s11], [sflag:$0x1] =	stream.indirect_vreg.gather [hbm4b:s1+s3], $0x80, v4, vm0, $0xb8;
	[tilespmem:$0x18C80] =	vst v63  }
0x186: {  	s11 =	simm.s32 $0x8480  }
0x187: {  	[tilespmem:s11], [sflag:$0x1] =	stream.indirect_vreg.gather [hbm4b:s1+s3], $0x80, v3, vm0, $0xb8;
	[tilespmem:$0x18C80] =	vst v63  }
0x188: {  	_ =	swait.ge [sflag:s31], $0x8000  }
0x189: {  	s11 =	rddreg [dreg:$0x4];
	[sflag:s31] =	ssyncset.done $0x0  }
0x18a: {  	[sflag:s31] =	ssyncadd.s32 $0xFFFF8000;
	s4 =	sadd.s32 s22, s11  }
0x18b: {  	[hbm4b:s4+s3] =	stream.linear.scatter [tilespmem:s28], [sflag:$0x6], $0x8000, $0x38;
	[tilespmem:$0x18C80] =	vst v63  }
0x18c: {  	_ =	swait.ge [sflag:s20], $0x8000  }
0x18d: {  	[sflag:s20] =	ssyncset.done $0x0  }
0x18e: {  	[sflag:s20] =	ssyncadd.s32 $0xFFFF8000  }
0x18f: {  	v3 =	vld [tilespmem:s21+$0xC0];
	_ =	sdelay $0x4  }
0x190: {  	v56 =	vshll.u32 v3, $0x1  }
0x191: {  	v3 =	vand.u32 $0x7, v3;
	v4 =	vand.u32 $0xFFFFFFF0, v56  }
0x192: {  	v3 =	vor.u32 v3, v4  }
0x193: {  	v4 =	vperm.xlane v3, v0;
	_ =	sdelay $0x1  }
0x194: {  	v3 =	vperm.xlane v3, v2;
	v4 =	vadd.s32 v1, v4;
	_ =	sdelay $0x1  }
0x195: {  	v3 =	vadd.s32 v1, v3;
	_ =	sdelay $0x2  }
0x196: {  	[tilespmem:s0], [sflag:$0x2] =	stream.indirect_vreg.gather [hbm4b:s1+s3], $0x80, v4, vm0, $0xb8;
	[tilespmem:$0x18C80] =	vst v63  }
0x197: {  	_ = 	snop  }
0x198: {  	[tilespmem:s23], [sflag:$0x2] =	stream.indirect_vreg.gather [hbm4b:s1+s3], $0x80, v3, vm0, $0xb8;
	[tilespmem:$0x18C80] =	vst v63  }
0x199: {  	v3 =	vld [tilespmem:s21+$0xD0];
	_ =	sdelay $0x4  }
0x19a: {  	v57 =	vshll.u32 v3, $0x1  }
0x19b: {  	v3 =	vand.u32 $0x7, v3;
	v4 =	vand.u32 $0xFFFFFFF0, v57  }
0x19c: {  	v3 =	vor.u32 v3, v4  }
0x19d: {  	v4 =	vperm.xlane v3, v0;
	_ =	sdelay $0x1  }
0x19e: {  	v3 =	vperm.xlane v3, v2;
	v4 =	vadd.s32 v1, v4;
	_ =	sdelay $0x1  }
0x19f: {  	v3 =	vadd.s32 v1, v3;
	_ =	sdelay $0x2  }
0x1a0: {  	[tilespmem:s5], [sflag:$0x2] =	stream.indirect_vreg.gather [hbm4b:s1+s3], $0x80, v4, vm0, $0xb8;
	[tilespmem:$0x18C80] =	vst v63  }
0x1a1: {  	_ = 	snop  }
0x1a2: {  	[tilespmem:s24], [sflag:$0x2] =	stream.indirect_vreg.gather [hbm4b:s1+s3], $0x80, v3, vm0, $0xb8;
	[tilespmem:$0x18C80] =	vst v63  }
0x1a3: {  	v3 =	vld [tilespmem:s21+$0xE0];
	_ =	sdelay $0x4  }
0x1a4: {  	v58 =	vshll.u32 v3, $0x1  }
0x1a5: {  	v3 =	vand.u32 $0x7, v3;
	v4 =	vand.u32 $0xFFFFFFF0, v58  }
0x1a6: {  	v3 =	vor.u32 v3, v4  }
0x1a7: {  	v4 =	vperm.xlane v3, v0;
	_ =	sdelay $0x1  }
0x1a8: {  	v3 =	vperm.xlane v3, v2;
	v4 =	vadd.s32 v1, v4;
	_ =	sdelay $0x1  }
0x1a9: {  	v3 =	vadd.s32 v1, v3;
	_ =	sdelay $0x2  }
0x1aa: {  	[tilespmem:s12], [sflag:$0x2] =	stream.indirect_vreg.gather [hbm4b:s1+s3], $0x80, v4, vm0, $0xb8;
	[tilespmem:$0x18C80] =	vst v63  }
0x1ab: {  	_ = 	snop  }
0x1ac: {  	[tilespmem:s25], [sflag:$0x2] =	stream.indirect_vreg.gather [hbm4b:s1+s3], $0x80, v3, vm0, $0xb8;
	[tilespmem:$0x18C80] =	vst v63  }
0x1ad: {  	v3 =	vld [tilespmem:s21+$0xF0];
	_ =	sdelay $0x4  }
0x1ae: {  	v59 =	vshll.u32 v3, $0x1  }
0x1af: {  	v3 =	vand.u32 $0x7, v3;
	v4 =	vand.u32 $0xFFFFFFF0, v59  }
0x1b0: {  	v3 =	vor.u32 v3, v4  }
0x1b1: {  	v4 =	vperm.xlane v3, v0;
	_ =	sdelay $0x1  }
0x1b2: {  	v3 =	vperm.xlane v3, v2;
	v4 =	vadd.s32 v1, v4;
	_ =	sdelay $0x1  }
0x1b3: {  	v3 =	vadd.s32 v1, v3;
	_ =	sdelay $0x2  }
0x1b4: {  	[tilespmem:s6], [sflag:$0x2] =	stream.indirect_vreg.gather [hbm4b:s1+s3], $0x80, v4, vm0, $0xb8;
	[tilespmem:$0x18C80] =	vst v63  }
0x1b5: {  	_ = 	snop  }
0x1b6: {  	[tilespmem:s26], [sflag:$0x2] =	stream.indirect_vreg.gather [hbm4b:s1+s3], $0x80, v3, vm0, $0xb8;
	[tilespmem:$0x18C80] =	vst v63  }
0x1b7: {  	v3 =	vld [tilespmem:s21+$0x100];
	_ =	sdelay $0x4  }
0x1b8: {  	v60 =	vshll.u32 v3, $0x1  }
0x1b9: {  	v3 =	vand.u32 $0x7, v3;
	v4 =	vand.u32 $0xFFFFFFF0, v60  }
0x1ba: {  	v3 =	vor.u32 v3, v4  }
0x1bb: {  	v4 =	vperm.xlane v3, v0;
	_ =	sdelay $0x1  }
0x1bc: {  	v3 =	vperm.xlane v3, v2;
	v4 =	vadd.s32 v1, v4;
	_ =	sdelay $0x1  }
0x1bd: {  	v3 =	vadd.s32 v1, v3;
	_ =	sdelay $0x2  }
0x1be: {  	[tilespmem:s13], [sflag:$0x2] =	stream.indirect_vreg.gather [hbm4b:s1+s3], $0x80, v4, vm0, $0xb8;
	[tilespmem:$0x18C80] =	vst v63  }
0x1bf: {  	_ = 	snop  }
0x1c0: {  	[tilespmem:s7], [sflag:$0x2] =	stream.indirect_vreg.gather [hbm4b:s1+s3], $0x80, v3, vm0, $0xb8;
	[tilespmem:$0x18C80] =	vst v63  }
0x1c1: {  	v3 =	vld [tilespmem:s21+$0x110];
	_ =	sdelay $0x4  }
0x1c2: {  	v61 =	vshll.u32 v3, $0x1  }
0x1c3: {  	v3 =	vand.u32 $0x7, v3;
	v4 =	vand.u32 $0xFFFFFFF0, v61  }
0x1c4: {  	v3 =	vor.u32 v3, v4  }
0x1c5: {  	v4 =	vperm.xlane v3, v0;
	_ =	sdelay $0x1  }
0x1c6: {  	v3 =	vperm.xlane v3, v2;
	v4 =	vadd.s32 v1, v4;
	_ =	sdelay $0x1  }
0x1c7: {  	v3 =	vadd.s32 v1, v3;
	_ =	sdelay $0x2  }
0x1c8: {  	[tilespmem:s14], [sflag:$0x2] =	stream.indirect_vreg.gather [hbm4b:s1+s3], $0x80, v4, vm0, $0xb8;
	[tilespmem:$0x18C80] =	vst v63  }
0x1c9: {  	_ = 	snop  }
0x1ca: {  	[tilespmem:s8], [sflag:$0x2] =	stream.indirect_vreg.gather [hbm4b:s1+s3], $0x80, v3, vm0, $0xb8;
	[tilespmem:$0x18C80] =	vst v63  }
0x1cb: {  	v3 =	vld [tilespmem:s21+$0x120];
	_ =	sdelay $0x4  }
0x1cc: {  	v62 =	vshll.u32 v3, $0x1  }
0x1cd: {  	v3 =	vand.u32 $0x7, v3;
	v4 =	vand.u32 $0xFFFFFFF0, v62  }
0x1ce: {  	v3 =	vor.u32 v3, v4  }
0x1cf: {  	v4 =	vperm.xlane v3, v0;
	_ =	sdelay $0x1  }
0x1d0: {  	v3 =	vperm.xlane v3, v2;
	v4 =	vadd.s32 v1, v4;
	_ =	sdelay $0x1  }
0x1d1: {  	v3 =	vadd.s32 v1, v3;
	_ =	sdelay $0x2  }
0x1d2: {  	[tilespmem:s15], [sflag:$0x2] =	stream.indirect_vreg.gather [hbm4b:s1+s3], $0x80, v4, vm0, $0xb8;
	[tilespmem:$0x18C80] =	vst v63  }
0x1d3: {  	_ = 	snop  }
0x1d4: {  	[tilespmem:s9], [sflag:$0x2] =	stream.indirect_vreg.gather [hbm4b:s1+s3], $0x80, v3, vm0, $0xb8;
	[tilespmem:$0x18C80] =	vst v63  }
0x1d5: {  	v3 =	vld [tilespmem:s21+$0x130];
	_ =	sdelay $0x4  }
0x1d6: {  	v63 =	vshll.u32 v3, $0x1  }
0x1d7: {  	v3 =	vand.u32 $0x7, v3;
	v4 =	vand.u32 $0xFFFFFFF0, v63  }
0x1d8: {  	v3 =	vor.u32 v3, v4  }
0x1d9: {  	v4 =	vperm.xlane v3, v0;
	_ =	sdelay $0x1  }
0x1da: {  	v3 =	vperm.xlane v3, v2;
	v4 =	vadd.s32 v1, v4  }
0x1db: {  	s22 =	sadd.s32 $0x3000, s22  }
0x1dc: {  	p0 =	sne.s32 s22, $0x15000;
	v3 =	vadd.s32 v1, v3  }
.Ltmp0:
0x1dd: {  	_ = 	snop;
	(pc) =	sbr.rel @p0 .LBB2_2-.Ltmp0, $4  }
0x1de: {  	_ = 	snop  }
0x1df: {  	[tilespmem:s16], [sflag:$0x2] =	stream.indirect_vreg.gather [hbm4b:s1+s3], $0x80, v4, vm0, $0xb8;
	[tilespmem:$0x18C80] =	vst v63  }
0x1e0: {  	s11 =	simm.s32 $0x8C80;
	s21 =	sadd.s32 $0x180, s21  }
0x1e1: {  	[tilespmem:s10], [sflag:$0x2] =	stream.indirect_vreg.gather [hbm4b:s1+s3], $0x80, v3, vm0, $0xb8;
	[tilespmem:$0x18C80] =	vst v63  }
0x1e2: {  	_ =	swait.ge [sflag:s2], $0x8000  }
0x1e3: {  	s0 =	simm.s32 $0xC80;
	[sflag:s2] =	ssyncset.done $0x0  }
0x1e4: {  	s5 =	simm.s32 $0x6;
	s4 =	rddreg [dreg:$0x8];
	[sflag:s2] =	ssyncadd.s32 $0xFFFF8000  }
0x1e5: {  	[hbm4b:s4+s3] =	stream.linear.scatter [tilespmem:s0], [sflag:$0x4], $0x8000, $0x38;
	[tilespmem:$0x18C80] =	vst v63  }
0x1e6: {  	_ =	swait.ge [sflag:s5], $0x8000  }
0x1e7: {  	[sflag:s5] =	ssyncset.done $0x0  }
0x1e8: {  	[sflag:s5] =	ssyncadd.s32 $0xFFFF8000  }
0x1e9: {  	v3 =	vld [tilespmem:$0xB80];
	_ =	sdelay $0x4  }
0x1ea: {  	v4 =	vshll.u32 v3, $0x1  }
0x1eb: {  	v3 =	vand.u32 $0x7, v3;
	v4 =	vand.u32 $0xFFFFFFF0, v4  }
0x1ec: {  	v3 =	vor.u32 v3, v4  }
0x1ed: {  	v4 =	vperm.xlane v3, v0;
	_ =	sdelay $0x1  }
0x1ee: {  	v3 =	vperm.xlane v3, v2;
	v4 =	vadd.s32 v1, v4;
	_ =	sdelay $0x1  }
0x1ef: {  	v3 =	vadd.s32 v1, v3;
	_ =	sdelay $0x2  }
0x1f0: {  	[tilespmem:s28], [sflag:$0x3] =	stream.indirect_vreg.gather [hbm4b:s1+s3], $0x80, v4, vm0, $0xb8;
	[tilespmem:$0x18C80] =	vst v63  }
0x1f1: {  	_ = 	snop  }
0x1f2: {  	[tilespmem:s17], [sflag:$0x3] =	stream.indirect_vreg.gather [hbm4b:s1+s3], $0x80, v3, vm0, $0xb8;
	[tilespmem:$0x18C80] =	vst v63  }
0x1f3: {  	v3 =	vld [tilespmem:$0xB90];
	_ =	sdelay $0x4  }
0x1f4: {  	v49 =	vshll.u32 v3, $0x1  }
0x1f5: {  	v3 =	vand.u32 $0x7, v3;
	v4 =	vand.u32 $0xFFFFFFF0, v49  }
0x1f6: {  	v3 =	vor.u32 v3, v4  }
0x1f7: {  	v4 =	vperm.xlane v3, v0;
	_ =	sdelay $0x1  }
0x1f8: {  	v3 =	vperm.xlane v3, v2;
	v4 =	vadd.s32 v1, v4;
	_ =	sdelay $0x1  }
0x1f9: {  	v3 =	vadd.s32 v1, v3;
	_ =	sdelay $0x2  }
0x1fa: {  	[tilespmem:s29], [sflag:$0x3] =	stream.indirect_vreg.gather [hbm4b:s1+s3], $0x80, v4, vm0, $0xb8;
	[tilespmem:$0x18C80] =	vst v63  }
0x1fb: {  	_ = 	snop  }
0x1fc: {  	[tilespmem:s18], [sflag:$0x3] =	stream.indirect_vreg.gather [hbm4b:s1+s3], $0x80, v3, vm0, $0xb8;
	[tilespmem:$0x18C80] =	vst v63  }
0x1fd: {  	v3 =	vld [tilespmem:$0xBA0];
	_ =	sdelay $0x4  }
0x1fe: {  	v50 =	vshll.u32 v3, $0x1  }
0x1ff: {  	v3 =	vand.u32 $0x7, v3;
	v4 =	vand.u32 $0xFFFFFFF0, v50  }
0x200: {  	v3 =	vor.u32 v3, v4  }
0x201: {  	v4 =	vperm.xlane v3, v0;
	_ =	sdelay $0x1  }
0x202: {  	v3 =	vperm.xlane v3, v2;
	v4 =	vadd.s32 v1, v4;
	_ =	sdelay $0x1  }
0x203: {  	v3 =	vadd.s32 v1, v3;
	_ =	sdelay $0x1  }
0x204: {  	s23 =	simm.s32 $0x12C80  }
0x205: {  	[tilespmem:s23], [sflag:$0x3] =	stream.indirect_vreg.gather [hbm4b:s1+s3], $0x80, v4, vm0, $0xb8;
	[tilespmem:$0x18C80] =	vst v63  }
0x206: {  	s24 =	simm.s32 $0x13480  }
0x207: {  	[tilespmem:s24], [sflag:$0x3] =	stream.indirect_vreg.gather [hbm4b:s1+s3], $0x80, v3, vm0, $0xb8;
	[tilespmem:$0x18C80] =	vst v63  }
0x208: {  	v3 =	vld [tilespmem:$0xBB0];
	_ =	sdelay $0x4  }
0x209: {  	v51 =	vshll.u32 v3, $0x1  }
0x20a: {  	v3 =	vand.u32 $0x7, v3;
	v4 =	vand.u32 $0xFFFFFFF0, v51  }
0x20b: {  	v3 =	vor.u32 v3, v4  }
0x20c: {  	v4 =	vperm.xlane v3, v0;
	_ =	sdelay $0x1  }
0x20d: {  	v3 =	vperm.xlane v3, v2;
	v4 =	vadd.s32 v1, v4;
	_ =	sdelay $0x1  }
0x20e: {  	v3 =	vadd.s32 v1, v3;
	_ =	sdelay $0x1  }
0x20f: {  	s6 =	simm.s32 $0x13C80  }
0x210: {  	[tilespmem:s6], [sflag:$0x3] =	stream.indirect_vreg.gather [hbm4b:s1+s3], $0x80, v4, vm0, $0xb8;
	[tilespmem:$0x18C80] =	vst v63  }
0x211: {  	s7 =	simm.s32 $0x14480  }
0x212: {  	[tilespmem:s7], [sflag:$0x3] =	stream.indirect_vreg.gather [hbm4b:s1+s3], $0x80, v3, vm0, $0xb8;
	[tilespmem:$0x18C80] =	vst v63  }
0x213: {  	v3 =	vld [tilespmem:$0xBC0];
	_ =	sdelay $0x4  }
0x214: {  	v52 =	vshll.u32 v3, $0x1  }
0x215: {  	v3 =	vand.u32 $0x7, v3;
	v4 =	vand.u32 $0xFFFFFFF0, v52  }
0x216: {  	v3 =	vor.u32 v3, v4  }
0x217: {  	v4 =	vperm.xlane v3, v0;
	_ =	sdelay $0x1  }
0x218: {  	v3 =	vperm.xlane v3, v2;
	v4 =	vadd.s32 v1, v4;
	_ =	sdelay $0x1  }
0x219: {  	v3 =	vadd.s32 v1, v3;
	_ =	sdelay $0x1  }
0x21a: {  	s8 =	simm.s32 $0x14C80  }
0x21b: {  	[tilespmem:s8], [sflag:$0x3] =	stream.indirect_vreg.gather [hbm4b:s1+s3], $0x80, v4, vm0, $0xb8;
	[tilespmem:$0x18C80] =	vst v63  }
0x21c: {  	s9 =	simm.s32 $0x15480  }
0x21d: {  	[tilespmem:s9], [sflag:$0x3] =	stream.indirect_vreg.gather [hbm4b:s1+s3], $0x80, v3, vm0, $0xb8;
	[tilespmem:$0x18C80] =	vst v63  }
0x21e: {  	v3 =	vld [tilespmem:$0xBD0];
	_ =	sdelay $0x4  }
0x21f: {  	v53 =	vshll.u32 v3, $0x1  }
0x220: {  	v3 =	vand.u32 $0x7, v3;
	v4 =	vand.u32 $0xFFFFFFF0, v53  }
0x221: {  	v3 =	vor.u32 v3, v4  }
0x222: {  	v4 =	vperm.xlane v3, v0;
	_ =	sdelay $0x1  }
0x223: {  	v3 =	vperm.xlane v3, v2;
	v4 =	vadd.s32 v1, v4;
	_ =	sdelay $0x1  }
0x224: {  	v3 =	vadd.s32 v1, v3;
	_ =	sdelay $0x1  }
0x225: {  	s10 =	simm.s32 $0x15C80  }
0x226: {  	[tilespmem:s10], [sflag:$0x3] =	stream.indirect_vreg.gather [hbm4b:s1+s3], $0x80, v4, vm0, $0xb8;
	[tilespmem:$0x18C80] =	vst v63  }
0x227: {  	s12 =	simm.s32 $0x16480  }
0x228: {  	[tilespmem:s12], [sflag:$0x3] =	stream.indirect_vreg.gather [hbm4b:s1+s3], $0x80, v3, vm0, $0xb8;
	[tilespmem:$0x18C80] =	vst v63  }
0x229: {  	v3 =	vld [tilespmem:$0xBE0];
	_ =	sdelay $0x4  }
0x22a: {  	v54 =	vshll.u32 v3, $0x1  }
0x22b: {  	v3 =	vand.u32 $0x7, v3;
	v4 =	vand.u32 $0xFFFFFFF0, v54  }
0x22c: {  	v3 =	vor.u32 v3, v4  }
0x22d: {  	v4 =	vperm.xlane v3, v0;
	_ =	sdelay $0x1  }
0x22e: {  	v3 =	vperm.xlane v3, v2;
	v4 =	vadd.s32 v1, v4;
	_ =	sdelay $0x1  }
0x22f: {  	v3 =	vadd.s32 v1, v3;
	_ =	sdelay $0x1  }
0x230: {  	s13 =	simm.s32 $0x16C80  }
0x231: {  	[tilespmem:s13], [sflag:$0x3] =	stream.indirect_vreg.gather [hbm4b:s1+s3], $0x80, v4, vm0, $0xb8;
	[tilespmem:$0x18C80] =	vst v63  }
0x232: {  	s14 =	simm.s32 $0x17480  }
0x233: {  	[tilespmem:s14], [sflag:$0x3] =	stream.indirect_vreg.gather [hbm4b:s1+s3], $0x80, v3, vm0, $0xb8;
	[tilespmem:$0x18C80] =	vst v63  }
0x234: {  	v3 =	vld [tilespmem:$0xBF0];
	_ =	sdelay $0x4  }
0x235: {  	v55 =	vshll.u32 v3, $0x1  }
0x236: {  	v3 =	vand.u32 $0x7, v3;
	v4 =	vand.u32 $0xFFFFFFF0, v55  }
0x237: {  	v3 =	vor.u32 v3, v4  }
0x238: {  	v4 =	vperm.xlane v3, v0;
	_ =	sdelay $0x1  }
0x239: {  	v3 =	vperm.xlane v3, v2;
	v4 =	vadd.s32 v1, v4;
	_ =	sdelay $0x1  }
0x23a: {  	v3 =	vadd.s32 v1, v3;
	_ =	sdelay $0x1  }
0x23b: {  	s15 =	simm.s32 $0x17C80  }
0x23c: {  	[tilespmem:s15], [sflag:$0x3] =	stream.indirect_vreg.gather [hbm4b:s1+s3], $0x80, v4, vm0, $0xb8;
	[tilespmem:$0x18C80] =	vst v63  }
0x23d: {  	s16 =	simm.s32 $0x18480  }
0x23e: {  	[tilespmem:s16], [sflag:$0x3] =	stream.indirect_vreg.gather [hbm4b:s1+s3], $0x80, v3, vm0, $0xb8;
	[tilespmem:$0x18C80] =	vst v63  }
0x23f: {  	_ =	swait.ge [sflag:s30], $0x8000  }
0x240: {  	[sflag:s30] =	ssyncset.done $0x0  }
0x241: {  	s17 =	rddreg [dreg:$0x9];
	[sflag:s30] =	ssyncadd.s32 $0xFFFF8000  }
0x242: {  	[hbm4b:s17+s3] =	stream.linear.scatter [tilespmem:s11], [sflag:$0x5], $0x8000, $0x38;
	[tilespmem:$0x18C80] =	vst v63  }
0x243: {  	_ =	swait.ge [sflag:s19], $0x8000  }
0x244: {  	[sflag:s19] =	ssyncset.done $0x0  }
0x245: {  	[sflag:s19] =	ssyncadd.s32 $0xFFFF8000  }
0x246: {  	v3 =	vld [tilespmem:$0xC00];
	_ =	sdelay $0x4  }
0x247: {  	v56 =	vshll.u32 v3, $0x1  }
0x248: {  	v3 =	vand.u32 $0x7, v3;
	v4 =	vand.u32 $0xFFFFFFF0, v56  }
0x249: {  	v3 =	vor.u32 v3, v4  }
0x24a: {  	v4 =	vperm.xlane v3, v0;
	_ =	sdelay $0x1  }
0x24b: {  	v3 =	vperm.xlane v3, v2;
	v4 =	vadd.s32 v1, v4;
	_ =	sdelay $0x1  }
0x24c: {  	v3 =	vadd.s32 v1, v3;
	_ =	sdelay $0x2  }
0x24d: {  	[tilespmem:s0], [sflag:$0x1] =	stream.indirect_vreg.gather [hbm4b:s1+s3], $0x80, v4, vm0, $0xb8;
	[tilespmem:$0x18C80] =	vst v63  }
0x24e: {  	s21 =	simm.s32 $0x1480  }
0x24f: {  	[tilespmem:s21], [sflag:$0x1] =	stream.indirect_vreg.gather [hbm4b:s1+s3], $0x80, v3, vm0, $0xb8;
	[tilespmem:$0x18C80] =	vst v63  }
0x250: {  	v3 =	vld [tilespmem:$0xC10];
	_ =	sdelay $0x4  }
0x251: {  	v57 =	vshll.u32 v3, $0x1  }
0x252: {  	v3 =	vand.u32 $0x7, v3;
	v4 =	vand.u32 $0xFFFFFFF0, v57  }
0x253: {  	v3 =	vor.u32 v3, v4  }
0x254: {  	v4 =	vperm.xlane v3, v0;
	_ =	sdelay $0x1  }
0x255: {  	v3 =	vperm.xlane v3, v2;
	v4 =	vadd.s32 v1, v4;
	_ =	sdelay $0x1  }
0x256: {  	v3 =	vadd.s32 v1, v3;
	_ =	sdelay $0x1  }
0x257: {  	s22 =	simm.s32 $0x1C80  }
0x258: {  	[tilespmem:s22], [sflag:$0x1] =	stream.indirect_vreg.gather [hbm4b:s1+s3], $0x80, v4, vm0, $0xb8;
	[tilespmem:$0x18C80] =	vst v63  }
0x259: {  	s23 =	simm.s32 $0x2480  }
0x25a: {  	[tilespmem:s23], [sflag:$0x1] =	stream.indirect_vreg.gather [hbm4b:s1+s3], $0x80, v3, vm0, $0xb8;
	[tilespmem:$0x18C80] =	vst v63  }
0x25b: {  	v3 =	vld [tilespmem:$0xC20];
	_ =	sdelay $0x4  }
0x25c: {  	v58 =	vshll.u32 v3, $0x1  }
0x25d: {  	v3 =	vand.u32 $0x7, v3;
	v4 =	vand.u32 $0xFFFFFFF0, v58  }
0x25e: {  	v3 =	vor.u32 v3, v4  }
0x25f: {  	v4 =	vperm.xlane v3, v0;
	_ =	sdelay $0x1  }
0x260: {  	v3 =	vperm.xlane v3, v2;
	v4 =	vadd.s32 v1, v4;
	_ =	sdelay $0x1  }
0x261: {  	v3 =	vadd.s32 v1, v3;
	_ =	sdelay $0x1  }
0x262: {  	s24 =	simm.s32 $0x2C80  }
0x263: {  	[tilespmem:s24], [sflag:$0x1] =	stream.indirect_vreg.gather [hbm4b:s1+s3], $0x80, v4, vm0, $0xb8;
	[tilespmem:$0x18C80] =	vst v63  }
0x264: {  	s6 =	simm.s32 $0x3480  }
0x265: {  	[tilespmem:s6], [sflag:$0x1] =	stream.indirect_vreg.gather [hbm4b:s1+s3], $0x80, v3, vm0, $0xb8;
	[tilespmem:$0x18C80] =	vst v63  }
0x266: {  	v3 =	vld [tilespmem:$0xC30];
	_ =	sdelay $0x4  }
0x267: {  	v59 =	vshll.u32 v3, $0x1  }
0x268: {  	v3 =	vand.u32 $0x7, v3;
	v4 =	vand.u32 $0xFFFFFFF0, v59  }
0x269: {  	v3 =	vor.u32 v3, v4  }
0x26a: {  	v4 =	vperm.xlane v3, v0;
	_ =	sdelay $0x1  }
0x26b: {  	v3 =	vperm.xlane v3, v2;
	v4 =	vadd.s32 v1, v4;
	_ =	sdelay $0x1  }
0x26c: {  	v3 =	vadd.s32 v1, v3;
	_ =	sdelay $0x1  }
0x26d: {  	s7 =	simm.s32 $0x3C80  }
0x26e: {  	[tilespmem:s7], [sflag:$0x1] =	stream.indirect_vreg.gather [hbm4b:s1+s3], $0x80, v4, vm0, $0xb8;
	[tilespmem:$0x18C80] =	vst v63  }
0x26f: {  	s8 =	simm.s32 $0x4480  }
0x270: {  	[tilespmem:s8], [sflag:$0x1] =	stream.indirect_vreg.gather [hbm4b:s1+s3], $0x80, v3, vm0, $0xb8;
	[tilespmem:$0x18C80] =	vst v63  }
0x271: {  	v3 =	vld [tilespmem:$0xC40];
	_ =	sdelay $0x4  }
0x272: {  	v60 =	vshll.u32 v3, $0x1  }
0x273: {  	v3 =	vand.u32 $0x7, v3;
	v4 =	vand.u32 $0xFFFFFFF0, v60  }
0x274: {  	v3 =	vor.u32 v3, v4  }
0x275: {  	v4 =	vperm.xlane v3, v0;
	_ =	sdelay $0x1  }
0x276: {  	v3 =	vperm.xlane v3, v2;
	v4 =	vadd.s32 v1, v4;
	_ =	sdelay $0x1  }
0x277: {  	v3 =	vadd.s32 v1, v3;
	_ =	sdelay $0x1  }
0x278: {  	s9 =	simm.s32 $0x4C80  }
0x279: {  	[tilespmem:s9], [sflag:$0x1] =	stream.indirect_vreg.gather [hbm4b:s1+s3], $0x80, v4, vm0, $0xb8;
	[tilespmem:$0x18C80] =	vst v63  }
0x27a: {  	s10 =	simm.s32 $0x5480  }
0x27b: {  	[tilespmem:s10], [sflag:$0x1] =	stream.indirect_vreg.gather [hbm4b:s1+s3], $0x80, v3, vm0, $0xb8;
	[tilespmem:$0x18C80] =	vst v63  }
0x27c: {  	v3 =	vld [tilespmem:$0xC50];
	_ =	sdelay $0x4  }
0x27d: {  	v61 =	vshll.u32 v3, $0x1  }
0x27e: {  	v3 =	vand.u32 $0x7, v3;
	v4 =	vand.u32 $0xFFFFFFF0, v61  }
0x27f: {  	v3 =	vor.u32 v3, v4  }
0x280: {  	v4 =	vperm.xlane v3, v0;
	_ =	sdelay $0x1  }
0x281: {  	v3 =	vperm.xlane v3, v2;
	v4 =	vadd.s32 v1, v4;
	_ =	sdelay $0x1  }
0x282: {  	v3 =	vadd.s32 v1, v3;
	_ =	sdelay $0x1  }
0x283: {  	s12 =	simm.s32 $0x5C80  }
0x284: {  	[tilespmem:s12], [sflag:$0x1] =	stream.indirect_vreg.gather [hbm4b:s1+s3], $0x80, v4, vm0, $0xb8;
	[tilespmem:$0x18C80] =	vst v63  }
0x285: {  	s13 =	simm.s32 $0x6480  }
0x286: {  	[tilespmem:s13], [sflag:$0x1] =	stream.indirect_vreg.gather [hbm4b:s1+s3], $0x80, v3, vm0, $0xb8;
	[tilespmem:$0x18C80] =	vst v63  }
0x287: {  	v3 =	vld [tilespmem:$0xC60];
	_ =	sdelay $0x4  }
0x288: {  	v62 =	vshll.u32 v3, $0x1  }
0x289: {  	v3 =	vand.u32 $0x7, v3;
	v4 =	vand.u32 $0xFFFFFFF0, v62  }
0x28a: {  	v3 =	vor.u32 v3, v4  }
0x28b: {  	v4 =	vperm.xlane v3, v0;
	_ =	sdelay $0x1  }
0x28c: {  	v3 =	vperm.xlane v3, v2;
	v4 =	vadd.s32 v1, v4;
	_ =	sdelay $0x1  }
0x28d: {  	v3 =	vadd.s32 v1, v3;
	_ =	sdelay $0x1  }
0x28e: {  	s14 =	simm.s32 $0x6C80  }
0x28f: {  	[tilespmem:s14], [sflag:$0x1] =	stream.indirect_vreg.gather [hbm4b:s1+s3], $0x80, v4, vm0, $0xb8;
	[tilespmem:$0x18C80] =	vst v63  }
0x290: {  	s15 =	simm.s32 $0x7480  }
0x291: {  	[tilespmem:s15], [sflag:$0x1] =	stream.indirect_vreg.gather [hbm4b:s1+s3], $0x80, v3, vm0, $0xb8;
	[tilespmem:$0x18C80] =	vst v63  }
0x292: {  	v3 =	vld [tilespmem:$0xC70];
	_ =	sdelay $0x4  }
0x293: {  	v63 =	vshll.u32 v3, $0x1  }
0x294: {  	v3 =	vand.u32 $0x7, v3;
	v4 =	vand.u32 $0xFFFFFFF0, v63  }
0x295: {  	v3 =	vor.u32 v3, v4  }
0x296: {  	v4 =	vperm.xlane v3, v0;
	_ =	sdelay $0x1  }
0x297: {  	v3 =	vperm.xlane v3, v2;
	v4 =	vadd.s32 v1, v4;
	_ =	sdelay $0x1  }
0x298: {  	v3 =	vadd.s32 v1, v3;
	_ =	sdelay $0x1  }
0x299: {  	s16 =	simm.s32 $0x7C80  }
0x29a: {  	[tilespmem:s16], [sflag:$0x1] =	stream.indirect_vreg.gather [hbm4b:s1+s3], $0x80, v4, vm0, $0xb8;
	[tilespmem:$0x18C80] =	vst v63  }
0x29b: {  	s17 =	simm.s32 $0x8480  }
0x29c: {  	[tilespmem:s17], [sflag:$0x1] =	stream.indirect_vreg.gather [hbm4b:s1+s3], $0x80, v3, vm0, $0xb8;
	[tilespmem:$0x18C80] =	vst v63  }
0x29d: {  	_ =	swait.ge [sflag:s31], $0x8000  }
0x29e: {  	[sflag:s31] =	ssyncset.done $0x0  }
0x29f: {  	s21 =	rddreg [dreg:$0xa];
	[sflag:s31] =	ssyncadd.s32 $0xFFFF8000  }
0x2a0: {  	[hbm4b:s21+s3] =	stream.linear.scatter [tilespmem:s28], [sflag:$0x6], $0x8000, $0x38;
	[tilespmem:$0x18C80] =	vst v63  }
0x2a1: {  	_ =	swait.ge [sflag:s20], $0x8000  }
0x2a2: {  	[sflag:s20] =	ssyncset.done $0x0  }
0x2a3: {  	[sflag:s20] =	ssyncadd.s32 $0xFFFF8000  }
0x2a4: {  	_ =	swait.ge [sflag:s2], $0x8000  }
0x2a5: {  	[sflag:s2] =	ssyncset.done $0x0  }
0x2a6: {  	s22 =	rddreg [dreg:$0xb];
	[sflag:s2] =	ssyncadd.s32 $0xFFFF8000  }
0x2a7: {  	[hbm4b:s22+s3] =	stream.linear.scatter [tilespmem:s0], [sflag:$0x4], $0x3800, $0x38;
	[tilespmem:$0x18C80] =	vst v63  }
0x2a8: {  	_ =	swait.ge [sflag:s5], $0x8000  }
0x2a9: {  	[sflag:s5] =	ssyncset.done $0x0  }
0x2aa: {  	[sflag:s5] =	ssyncadd.s32 $0xFFFF8000  }
0x2ab: {  	_ =	swait.ge [sflag:s19], $0x3800  }
0x2ac: {  	s6 =	simm.s32 $0xBC80;
	s23 =	rddreg [dreg:$0xd]  }
0x2ad: {  	s7 =	simm.s32 $0xD480;
	s24 =	rddreg [dreg:$0xc];
	s0 =	sadd.s32 $0x1, s23  }
0x2ae: {  	s8 =	simm.s32 $0xE480;
	s9 =	simm.s32 $0xF480;
	p0 =	sne.s32 s0, s24  }
.Ltmp1:
0x2af: {  	s10 =	simm.s32 $0x10480;
	s12 =	simm.s32 $0xAC80;
	(pc) =	sbr.rel @p0 .LBB2_1-.Ltmp1, $4  }
0x2b0: {  	s13 =	simm.s32 $0xCC80;
	s14 =	simm.s32 $0xDC80;
	s15 =	simm.s32 $0xEC80  }
0x2b1: {  	s16 =	simm.s32 $0xFC80;
	s17 =	simm.s32 $0xC80;
	s21 =	simm.s32 $0x9480  }
0x2b2: {  	s22 =	simm.s32 $0xA480;
	s5 =	simm.s32 $0x9C80;
	[sflag:s19] =	ssyncset.done $0x0  }
0x2b3: {  	[sflag:s19] =	ssyncadd.s32 $0xFFFFC800;
	s23 =	simm.s32 $0xB480;
	s24 =	simm.s32 $0xC480  }
0x2b4: {  	_ =	sfence.sel $0x180000  }
0x2b5: {  	[bflag:$0x0] =	sbarrier.arrive $0xFFFF  }
0x2b6: {  	_ =	strace $0x90000047  }
0x2b7: {  	s0 =	stileid.u32;
	[bflag:$0x2] =	sbarrier.arrive $0xFFFF  }
0x2b8: {  	p0 =	sne.s32 s0, $0x0;
	s0 =	rddreg [dreg:$0x3]  }
0x2b9: {  	s0 =	sadd.s32 @!p0 $0x100000, s0  }
0x2ba: {  	[sflag:s0] =	ssyncadd.tile.s32 @!p0 $0x1;
	_ =	shalt  }
.Lfunc_end2:
_tile_overlayer_lowered:
.L_overlay_start_2:
0x2bb: {  	(tag) =	ssettag $0x2  }
0x2bc: {  	s0 =	rddreg [dreg:$0x0];
	s2 =	stileid.u32  }
0x2bd: {  	s1 =	rddreg [dreg:$0x1];
	p0 =	sne.s32 s2, $0x0  }
0x2be: {  	s3 =	rddreg [dreg:$0x2];
	[bflag:$0x3] =	sbarrier.arrive $0xFFFF;
	s2 =	simm.s32 @!p0 $0x1C07  }
0x2bf: {  	[timem:s3], [sflag:s2] =	dma.local @!p0 [hbm:s0], s1  }
0x2c0: {  	s0 =	simm.s32 @!p0 $0x7  }
0x2c1: {  	_ =	swait.ge @!p0 [sflag:s0], s1  }
0x2c2: {  	s1 =	ssub.s32 @!p0 $0x0, s1;
	[sflag:s0] =	ssyncset.done @!p0 $0x0  }
0x2c3: {  	[sflag:s0] =	ssyncadd.s32 @!p0 s1  }
0x2c4: {  	[bflag:$0x3] =	sbarrier.arrive $0xFFFF  }
0x2c5: {  	_ =	shalt  }

</sc_bundles>
